<compile_context>
chip_gen: v7x
topology: tpu7x:2x2x1
jax: 0.10.2.dev20260603
libtpu: 0.0.44.dev20260713+nightly
codegen_flags: <defaults>
</compile_context>

<pallas_src>
import functools

import jax
import jax.numpy as jnp
from jax import lax
from jax.experimental import pallas as pl
from jax.experimental.pallas import tpu as pltpu
from jax.experimental.pallas import tpu_sc as plsc

LANES = 16
CHUNK = 128


def _make_body(n_flat, seq, d, n_cores, n_subcores):
  n_workers = n_cores * n_subcores
  per_w = n_flat // n_workers
  n_it = per_w // CHUNK
  assert n_flat % n_workers == 0 and per_w % CHUNK == 0
  assert per_w % seq == 0 and n_it % 4 == 0
  assert seq % 8 == 0 and d % LANES == 0
  idx_rows_w = per_w // CHUNK
  pe_rows = seq + CHUNK

  mesh = plsc.VectorSubcoreMesh(core_axis_name="c", subcore_axis_name="s")

  @functools.partial(
      pl.kernel,
      out_type=jax.ShapeDtypeStruct((n_flat, d), jnp.float32),
      mesh=mesh,
      compiler_params=pltpu.CompilerParams(use_tc_tiling_on_sc=True),
      scratch_types=[
          pltpu.VMEM(((idx_rows_w // 2 + 7) // 8 * 8, CHUNK), jnp.int32),
          pltpu.VMEM((CHUNK,), jnp.int32),
          pltpu.VMEM((CHUNK,), jnp.int32),
          pltpu.VMEM((CHUNK, 2 * d), jnp.float32),
          pltpu.VMEM((CHUNK, 2 * d), jnp.float32),
          pltpu.VMEM((CHUNK, d), jnp.float32),
          pltpu.VMEM((CHUNK, d), jnp.float32),
          pltpu.VMEM((pe_rows, d), jnp.float32),
          pltpu.SemaphoreType.DMA,
          pltpu.SemaphoreType.DMA,
          pltpu.SemaphoreType.DMA,
          pltpu.SemaphoreType.DMA,
      ],
  )
  def body(idx_hbm, table_hbm, pos_hbm, out_hbm,
           idx_v, ib0, ib1, g0, g1, w0, w1, pe_v,
           sem_g0, sem_g1, sem_w0, sem_w1):
    idxb = (ib0, ib1)
    gath = (g0, g1)
    wr = (w0, w1)
    sem_g = (sem_g0, sem_g1)
    sem_w = (sem_w0, sem_w1)

    wid = lax.axis_index("s") * n_cores + lax.axis_index("c")
    row0 = wid * idx_rows_w
    out0 = wid * per_w
    split = (idx_rows_w // 2 + 7) // 8 * 8

    pltpu.sync_copy(idx_hbm.at[pl.ds(row0, split)], idx_v)
    pltpu.sync_copy(pos_hbm.at[pl.ds(0, seq)], pe_v.at[pl.ds(0, seq)])
    pltpu.sync_copy(pos_hbm.at[pl.ds(0, CHUNK)], pe_v.at[pl.ds(seq, CHUNK)])

    def fire_gather(t, k):
      tr = jnp.where(t < split, t, t - split)
      for q in range(CHUNK // LANES):
        sl = pl.ds(q * LANES, LANES)
        idxb[k][sl] = idx_v[tr, sl]
      pltpu.async_copy(table_hbm.at[idxb[k]], gath[k], sem_g[k])

    def drain_gather(k):
      pltpu.make_async_copy(table_hbm.at[idxb[k]], gath[k], sem_g[k]).wait()

    def fire_write(t, k):
      pltpu.async_copy(wr[k], out_hbm.at[pl.ds(out0 + t * CHUNK, CHUNK)],
                       sem_w[k])

    def drain_write(t, k):
      pltpu.make_async_copy(wr[k], out_hbm.at[pl.ds(out0 + t * CHUNK, CHUNK)],
                            sem_w[k]).wait()

    def add_pe(t, k):
      phase = lax.rem(t * CHUNK, seq)

      def row(r, carry):
        for q in range(d // LANES):
          sl = pl.ds(q * LANES, LANES)
          wr[k][r, sl] = gath[k][r, sl] + pe_v[phase + r, sl]
        return carry
      lax.fori_loop(0, CHUNK, row, None, unroll=False)

    fire_gather(0, 0)

    def step(t2, carry):
      t = 2 * t2
      @pl.when(t2 > 0)
      def _():
        drain_write(t - 1, 1)
      fire_gather(t + 1, 1)
      drain_gather(0)
      add_pe(t, 0)
      fire_write(t, 0)

      drain_write(t, 0)

      @pl.when(2 * t2 + 2 == split)
      def _():
        pltpu.sync_copy(idx_hbm.at[pl.ds(row0 + split, idx_rows_w - split)],
                        idx_v.at[pl.ds(0, idx_rows_w - split)])

      @pl.when(t2 < n_it // 2 - 1)
      def _():
        fire_gather(t + 2, 0)
      drain_gather(1)
      add_pe(t + 1, 1)
      fire_write(t + 1, 1)
      return carry

    lax.fori_loop(0, n_it // 2, step, None, unroll=False)
    drain_write(n_it - 1, 1)

  return body


def _transpose_pad(table_t, v, d, blk=2048):
  def tk(t_ref, out_ref):
    out_ref[:, :d] = t_ref[...].T
    out_ref[:, d:] = jnp.zeros((blk, d), jnp.float32)

  return pl.pallas_call(
      tk,
      grid=(pl.cdiv(v, blk),),
      in_specs=[pl.BlockSpec((d, blk), lambda i: (0, i))],
      out_specs=pl.BlockSpec((blk, 2 * d), lambda i: (i, 0)),
      out_shape=jax.ShapeDtypeStruct((v, 2 * d), jnp.float32),
  )(table_t)


def kernel(inputs, table, pos_encoding):
  b, s = inputs.shape
  n_flat = b * s
  v, d = table.shape
  info = plsc.get_sparse_core_info()
  idx2d = inputs.reshape(n_flat // CHUNK, CHUNK).astype(jnp.int32)
  table128 = _transpose_pad(table.T, v, d)
  body = _make_body(n_flat, s, d, info.num_cores, info.num_subcores)
  out = body(idx2d, table128, pos_encoding)
  return out.reshape(b, s, d)

# --- scband reference (transcript-rebuilt; emitter-appended) ---
"""Pipeline reference for scband-embedding-38689065402804 (READ-ONLY COPY).

The authoritative reference and input builder live on the scoring server;
editing this copy changes nothing except your own understanding.
"""

import jax, jax.numpy as jnp
import numpy as np

VOCAB = 1000000
D_MODEL = 64
MAX_LENGTH = 256
BATCH = 4096
SEQ = 200


def positional_encoding(d_model, max_length):
    exponent = jnp.arange(0, d_model, 2, dtype=jnp.float32) / d_model
    pos = jnp.arange(0, max_length, dtype=jnp.float32)[:, None]
    angle_freq = jnp.exp(exponent * -jnp.log(jnp.float32(10000.0)))
    pe = jnp.zeros((max_length, d_model), dtype=jnp.float32)
    pe = pe.at[:, 0::2].set(jnp.sin(pos * angle_freq))
    pe = pe.at[:, 1::2].set(jnp.cos(pos * angle_freq))
    return pe


def setup_inputs(seed: int = 0) -> dict:
    key = jax.random.key(seed)
    k1, k2 = jax.random.split(key)
    inputs = jax.random.randint(k1, (BATCH, SEQ), 0, VOCAB, dtype=jnp.int64 if jax.config.jax_enable_x64 else jnp.int32)
    table = jax.random.normal(k2, (VOCAB, D_MODEL), dtype=jnp.float32) * 0.02
    pos_enc = positional_encoding(D_MODEL, MAX_LENGTH)
    return {"inputs": inputs, "table": table, "pos_encoding": pos_enc}


def reference(inputs, table, pos_encoding):
    # embedding lookup (gather)
    outputs = jnp.take(table, inputs, axis=0)  # [B, S, d_model]
    seq_len = inputs.shape[-1]
    pe = pos_encoding[:seq_len]  # [S, d_model]
    outputs = outputs + pe
    return outputs

if __name__ == "__main__":
    import jax
    _d = setup_inputs()
    print(jax.jit(kernel)(*tuple(_d.values())))

</pallas_src>

<mosaic_0001>
#map = affine_map<(d0, d1) -> (0, 0)>
module attributes {stable_mosaic.version = 14 : i64} {
  func.func @body(%arg0: i32, %arg1: i32, %arg2: memref<6400x128xi32, #tpu.memory_space<hbm>>, %arg3: memref<1000000x128xf32, #tpu.memory_space<hbm>>, %arg4: memref<256x64xf32, #tpu.memory_space<hbm>>, %arg5: memref<819200x64xf32, #tpu.memory_space<hbm>>, %arg6: memref<104x128xi32, #tpu.memory_space<vmem>>, %arg7: memref<128xi32, #tpu.memory_space<vmem>>, %arg8: memref<128xi32, #tpu.memory_space<vmem>>, %arg9: memref<128x128xf32, #tpu.memory_space<vmem>>, %arg10: memref<128x128xf32, #tpu.memory_space<vmem>>, %arg11: memref<128x64xf32, #tpu.memory_space<vmem>>, %arg12: memref<128x64xf32, #tpu.memory_space<vmem>>, %arg13: memref<328x64xf32, #tpu.memory_space<vmem>>, %arg14: memref<!tpu.dma_semaphore, #tpu.memory_space<semaphore_mem>>, %arg15: memref<!tpu.dma_semaphore, #tpu.memory_space<semaphore_mem>>, %arg16: memref<!tpu.dma_semaphore, #tpu.memory_space<semaphore_mem>>, %arg17: memref<!tpu.dma_semaphore, #tpu.memory_space<semaphore_mem>>) attributes {dimension_semantics = [#tpu.dimension_semantics<core_parallel>, #tpu.dimension_semantics<subcore_parallel>], iteration_bounds = array<i64: 2, 16>, scalar_prefetch = 0 : i64, scratch_operands = 12 : i64, tpu.core_type = #tpu.core_type<sc_vector_subcore>, window_params = [{transform_indices = #map}, {transform_indices = #map}, {transform_indices = #map}, {transform_indices = #map}]} {
    %mul3A = arith.constant 2 : i32
    %mul3A_0 = arith.muli %arg1, %mul3A : i32
    %add3A = arith.addi %mul3A_0, %arg0 : i32
    %mul3A_1 = arith.constant 200 : i32
    %mul3A_2 = arith.muli %add3A, %mul3A_1 : i32
    %mul3A_3 = arith.constant 25600 : i32
    %mul3A_4 = arith.muli %add3A, %mul3A_3 : i32
    "tpu.region"() ({
      %run_scoped3A = tpu.sem_alloc : memref<!tpu.dma_semaphore, #tpu.memory_space<semaphore_mem>>
      %dma_start3A_80 = arith.constant 0 : i32
      %dma_start3A_81 = tpu.memref_slice %arg2[%mul3A_2, %dma_start3A_80] : memref<6400x128xi32, #tpu.memory_space<hbm>> -> memref<104x128xi32, #tpu.memory_space<hbm>>
      %dma_start3A_82 = arith.constant 0 : i32
      %dma_start3A_83 = tpu.memref_slice %arg2[%mul3A_2, %dma_start3A_82] : memref<6400x128xi32, #tpu.memory_space<hbm>> -> memref<104x128xi32, #tpu.memory_space<hbm>>
      tpu.enqueue_dma source(%dma_start3A_83 : memref<104x128xi32, #tpu.memory_space<hbm>>) target(%arg6 : memref<104x128xi32, #tpu.memory_space<vmem>>) target_semaphore(%run_scoped3A : memref<!tpu.dma_semaphore, #tpu.memory_space<semaphore_mem>>)
      %dma_wait3A_84 = arith.constant 0 : i32
      %dma_wait3A_85 = tpu.memref_slice %arg2[%mul3A_2, %dma_wait3A_84] : memref<6400x128xi32, #tpu.memory_space<hbm>> -> memref<104x128xi32, #tpu.memory_space<hbm>>
      %dma_wait3A_86 = arith.constant 0 : i32
      %dma_wait3A_87 = tpu.memref_slice %arg2[%mul3A_2, %dma_wait3A_86] : memref<6400x128xi32, #tpu.memory_space<hbm>> -> memref<104x128xi32, #tpu.memory_space<hbm>>
      tpu.wait_dma2 semaphore(%run_scoped3A : memref<!tpu.dma_semaphore, #tpu.memory_space<semaphore_mem>>) src(%dma_wait3A_87 : memref<104x128xi32, #tpu.memory_space<hbm>>) dst(%arg6 : memref<104x128xi32, #tpu.memory_space<vmem>>)
      tpu.yield
    }) : () -> ()
    "tpu.region"() ({
      %run_scoped3A = tpu.sem_alloc : memref<!tpu.dma_semaphore, #tpu.memory_space<semaphore_mem>>
      %dma_start3A_80 = arith.constant 0 : i32
      %dma_start3A_81 = arith.constant 0 : i32
      %dma_start3A_82 = tpu.memref_slice %arg13[%dma_start3A_80, %dma_start3A_81] : memref<328x64xf32, #tpu.memory_space<vmem>> -> memref<200x64xf32, #tpu.memory_space<vmem>>
      %dma_start3A_83 = arith.constant 0 : i32
      %dma_start3A_84 = arith.constant 0 : i32
      %dma_start3A_85 = tpu.memref_slice %arg4[%dma_start3A_83, %dma_start3A_84] : memref<256x64xf32, #tpu.memory_space<hbm>> -> memref<200x64xf32, #tpu.memory_space<hbm>>
      %dma_start3A_86 = arith.constant 0 : i32
      %dma_start3A_87 = arith.constant 0 : i32
      %dma_start3A_88 = tpu.memref_slice %arg13[%dma_start3A_86, %dma_start3A_87] : memref<328x64xf32, #tpu.memory_space<vmem>> -> memref<200x64xf32, #tpu.memory_space<vmem>>
      %dma_start3A_89 = arith.constant 0 : i32
      %dma_start3A_90 = arith.constant 0 : i32
      %dma_start3A_91 = tpu.memref_slice %arg4[%dma_start3A_89, %dma_start3A_90] : memref<256x64xf32, #tpu.memory_space<hbm>> -> memref<200x64xf32, #tpu.memory_space<hbm>>
      tpu.enqueue_dma source(%dma_start3A_91 : memref<200x64xf32, #tpu.memory_space<hbm>>) target(%dma_start3A_88 : memref<200x64xf32, #tpu.memory_space<vmem>>) target_semaphore(%run_scoped3A : memref<!tpu.dma_semaphore, #tpu.memory_space<semaphore_mem>>)
      %dma_wait3A_92 = arith.constant 0 : i32
      %dma_wait3A_93 = arith.constant 0 : i32
      %dma_wait3A_94 = tpu.memref_slice %arg13[%dma_wait3A_92, %dma_wait3A_93] : memref<328x64xf32, #tpu.memory_space<vmem>> -> memref<200x64xf32, #tpu.memory_space<vmem>>
      %dma_wait3A_95 = arith.constant 0 : i32
      %dma_wait3A_96 = arith.constant 0 : i32
      %dma_wait3A_97 = tpu.memref_slice %arg4[%dma_wait3A_95, %dma_wait3A_96] : memref<256x64xf32, #tpu.memory_space<hbm>> -> memref<200x64xf32, #tpu.memory_space<hbm>>
      %dma_wait3A_98 = arith.constant 0 : i32
      %dma_wait3A_99 = arith.constant 0 : i32
      %dma_wait3A_100 = tpu.memref_slice %arg13[%dma_wait3A_98, %dma_wait3A_99] : memref<328x64xf32, #tpu.memory_space<vmem>> -> memref<200x64xf32, #tpu.memory_space<vmem>>
      %dma_wait3A_101 = arith.constant 0 : i32
      %dma_wait3A_102 = arith.constant 0 : i32
      %dma_wait3A_103 = tpu.memref_slice %arg4[%dma_wait3A_101, %dma_wait3A_102] : memref<256x64xf32, #tpu.memory_space<hbm>> -> memref<200x64xf32, #tpu.memory_space<hbm>>
      tpu.wait_dma2 semaphore(%run_scoped3A : memref<!tpu.dma_semaphore, #tpu.memory_space<semaphore_mem>>) src(%dma_wait3A_103 : memref<200x64xf32, #tpu.memory_space<hbm>>) dst(%dma_wait3A_100 : memref<200x64xf32, #tpu.memory_space<vmem>>)
      tpu.yield
    }) : () -> ()
    "tpu.region"() ({
      %run_scoped3A = tpu.sem_alloc : memref<!tpu.dma_semaphore, #tpu.memory_space<semaphore_mem>>
      %dma_start3A_80 = arith.constant 200 : i32
      %dma_start3A_81 = arith.constant 0 : i32
      %dma_start3A_82 = tpu.memref_slice %arg13[%dma_start3A_80, %dma_start3A_81] : memref<328x64xf32, #tpu.memory_space<vmem>> -> memref<128x64xf32, #tpu.memory_space<vmem>>
      %dma_start3A_83 = arith.constant 0 : i32
      %dma_start3A_84 = arith.constant 0 : i32
      %dma_start3A_85 = tpu.memref_slice %arg4[%dma_start3A_83, %dma_start3A_84] : memref<256x64xf32, #tpu.memory_space<hbm>> -> memref<128x64xf32, #tpu.memory_space<hbm>>
      %dma_start3A_86 = arith.constant 200 : i32
      %dma_start3A_87 = arith.constant 0 : i32
      %dma_start3A_88 = tpu.memref_slice %arg13[%dma_start3A_86, %dma_start3A_87] : memref<328x64xf32, #tpu.memory_space<vmem>> -> memref<128x64xf32, #tpu.memory_space<vmem>>
      %dma_start3A_89 = arith.constant 0 : i32
      %dma_start3A_90 = arith.constant 0 : i32
      %dma_start3A_91 = tpu.memref_slice %arg4[%dma_start3A_89, %dma_start3A_90] : memref<256x64xf32, #tpu.memory_space<hbm>> -> memref<128x64xf32, #tpu.memory_space<hbm>>
      tpu.enqueue_dma source(%dma_start3A_91 : memref<128x64xf32, #tpu.memory_space<hbm>>) target(%dma_start3A_88 : memref<128x64xf32, #tpu.memory_space<vmem>>) target_semaphore(%run_scoped3A : memref<!tpu.dma_semaphore, #tpu.memory_space<semaphore_mem>>)
      %dma_wait3A_92 = arith.constant 200 : i32
      %dma_wait3A_93 = arith.constant 0 : i32
      %dma_wait3A_94 = tpu.memref_slice %arg13[%dma_wait3A_92, %dma_wait3A_93] : memref<328x64xf32, #tpu.memory_space<vmem>> -> memref<128x64xf32, #tpu.memory_space<vmem>>
      %dma_wait3A_95 = arith.constant 0 : i32
      %dma_wait3A_96 = arith.constant 0 : i32
      %dma_wait3A_97 = tpu.memref_slice %arg4[%dma_wait3A_95, %dma_wait3A_96] : memref<256x64xf32, #tpu.memory_space<hbm>> -> memref<128x64xf32, #tpu.memory_space<hbm>>
      %dma_wait3A_98 = arith.constant 200 : i32
      %dma_wait3A_99 = arith.constant 0 : i32
      %dma_wait3A_100 = tpu.memref_slice %arg13[%dma_wait3A_98, %dma_wait3A_99] : memref<328x64xf32, #tpu.memory_space<vmem>> -> memref<128x64xf32, #tpu.memory_space<vmem>>
      %dma_wait3A_101 = arith.constant 0 : i32
      %dma_wait3A_102 = arith.constant 0 : i32
      %dma_wait3A_103 = tpu.memref_slice %arg4[%dma_wait3A_101, %dma_wait3A_102] : memref<256x64xf32, #tpu.memory_space<hbm>> -> memref<128x64xf32, #tpu.memory_space<hbm>>
      tpu.wait_dma2 semaphore(%run_scoped3A : memref<!tpu.dma_semaphore, #tpu.memory_space<semaphore_mem>>) src(%dma_wait3A_103 : memref<128x64xf32, #tpu.memory_space<hbm>>) dst(%dma_wait3A_100 : memref<128x64xf32, #tpu.memory_space<vmem>>)
      tpu.yield
    }) : () -> ()
    %jit3A = arith.constant true
    %jit3A_5 = arith.constant 0 : i32
    %jit3A_6 = arith.constant -104 : i32
    %select_n3A = arith.select %jit3A, %jit3A_5, %jit3A_6 : i32
    %get3A = arith.index_cast %select_n3A : i32 to index
    %get3A_7 = arith.constant 0 : index
    %get3A_8 = tpu.vector_load %arg6[%get3A, %get3A_7] {strides = array<i32>} : memref<104x128xi32, #tpu.memory_space<vmem>>, vector<1x16xi32>,
    %get3A_9 = vector.shape_cast %get3A_8 : vector<1x16xi32> to vector<16xi32>
    %swap3A = arith.constant 0 : index
    %swap3A_10 = tpu.vector_load %arg7[%swap3A] {strides = array<i32>} : memref<128xi32, #tpu.memory_space<vmem>>, vector<16xi32>,
    %swap3A_11 = vector.shape_cast %swap3A_10 : vector<16xi32> to vector<16xi32>
    %swap3A_12 = vector.shape_cast %get3A_9 : vector<16xi32> to vector<16xi32>
    tpu.vector_store %arg7[%swap3A], %swap3A_12 {strides = array<i32>} : memref<128xi32, #tpu.memory_space<vmem>>, vector<16xi32>,
    %get3A_13 = arith.index_cast %select_n3A : i32 to index
    %get3A_14 = arith.constant 16 : index
    %get3A_15 = tpu.vector_load %arg6[%get3A_13, %get3A_14] {strides = array<i32>} : memref<104x128xi32, #tpu.memory_space<vmem>>, vector<1x16xi32>,
    %get3A_16 = vector.shape_cast %get3A_15 : vector<1x16xi32> to vector<16xi32>
    %swap3A_17 = arith.constant 16 : index
    %swap3A_18 = tpu.vector_load %arg7[%swap3A_17] {strides = array<i32>} : memref<128xi32, #tpu.memory_space<vmem>>, vector<16xi32>,
    %swap3A_19 = vector.shape_cast %swap3A_18 : vector<16xi32> to vector<16xi32>
    %swap3A_20 = vector.shape_cast %get3A_16 : vector<16xi32> to vector<16xi32>
    tpu.vector_store %arg7[%swap3A_17], %swap3A_20 {strides = array<i32>} : memref<128xi32, #tpu.memory_space<vmem>>, vector<16xi32>,
    %get3A_21 = arith.index_cast %select_n3A : i32 to index
    %get3A_22 = arith.constant 32 : index
    %get3A_23 = tpu.vector_load %arg6[%get3A_21, %get3A_22] {strides = array<i32>} : memref<104x128xi32, #tpu.memory_space<vmem>>, vector<1x16xi32>,
    %get3A_24 = vector.shape_cast %get3A_23 : vector<1x16xi32> to vector<16xi32>
    %swap3A_25 = arith.constant 32 : index
    %swap3A_26 = tpu.vector_load %arg7[%swap3A_25] {strides = array<i32>} : memref<128xi32, #tpu.memory_space<vmem>>, vector<16xi32>,
    %swap3A_27 = vector.shape_cast %swap3A_26 : vector<16xi32> to vector<16xi32>
    %swap3A_28 = vector.shape_cast %get3A_24 : vector<16xi32> to vector<16xi32>
    tpu.vector_store %arg7[%swap3A_25], %swap3A_28 {strides = array<i32>} : memref<128xi32, #tpu.memory_space<vmem>>, vector<16xi32>,
    %get3A_29 = arith.index_cast %select_n3A : i32 to index
    %get3A_30 = arith.constant 48 : index
    %get3A_31 = tpu.vector_load %arg6[%get3A_29, %get3A_30] {strides = array<i32>} : memref<104x128xi32, #tpu.memory_space<vmem>>, vector<1x16xi32>,
    %get3A_32 = vector.shape_cast %get3A_31 : vector<1x16xi32> to vector<16xi32>
    %swap3A_33 = arith.constant 48 : index
    %swap3A_34 = tpu.vector_load %arg7[%swap3A_33] {strides = array<i32>} : memref<128xi32, #tpu.memory_space<vmem>>, vector<16xi32>,
    %swap3A_35 = vector.shape_cast %swap3A_34 : vector<16xi32> to vector<16xi32>
    %swap3A_36 = vector.shape_cast %get3A_32 : vector<16xi32> to vector<16xi32>
    tpu.vector_store %arg7[%swap3A_33], %swap3A_36 {strides = array<i32>} : memref<128xi32, #tpu.memory_space<vmem>>, vector<16xi32>,
    %get3A_37 = arith.index_cast %select_n3A : i32 to index
    %get3A_38 = arith.constant 64 : index
    %get3A_39 = tpu.vector_load %arg6[%get3A_37, %get3A_38] {strides = array<i32>} : memref<104x128xi32, #tpu.memory_space<vmem>>, vector<1x16xi32>,
    %get3A_40 = vector.shape_cast %get3A_39 : vector<1x16xi32> to vector<16xi32>
    %swap3A_41 = arith.constant 64 : index
    %swap3A_42 = tpu.vector_load %arg7[%swap3A_41] {strides = array<i32>} : memref<128xi32, #tpu.memory_space<vmem>>, vector<16xi32>,
    %swap3A_43 = vector.shape_cast %swap3A_42 : vector<16xi32> to vector<16xi32>
    %swap3A_44 = vector.shape_cast %get3A_40 : vector<16xi32> to vector<16xi32>
    tpu.vector_store %arg7[%swap3A_41], %swap3A_44 {strides = array<i32>} : memref<128xi32, #tpu.memory_space<vmem>>, vector<16xi32>,
    %get3A_45 = arith.index_cast %select_n3A : i32 to index
    %get3A_46 = arith.constant 80 : index
    %get3A_47 = tpu.vector_load %arg6[%get3A_45, %get3A_46] {strides = array<i32>} : memref<104x128xi32, #tpu.memory_space<vmem>>, vector<1x16xi32>,
    %get3A_48 = vector.shape_cast %get3A_47 : vector<1x16xi32> to vector<16xi32>
    %swap3A_49 = arith.constant 80 : index
    %swap3A_50 = tpu.vector_load %arg7[%swap3A_49] {strides = array<i32>} : memref<128xi32, #tpu.memory_space<vmem>>, vector<16xi32>,
    %swap3A_51 = vector.shape_cast %swap3A_50 : vector<16xi32> to vector<16xi32>
    %swap3A_52 = vector.shape_cast %get3A_48 : vector<16xi32> to vector<16xi32>
    tpu.vector_store %arg7[%swap3A_49], %swap3A_52 {strides = array<i32>} : memref<128xi32, #tpu.memory_space<vmem>>, vector<16xi32>,
    %get3A_53 = arith.index_cast %select_n3A : i32 to index
    %get3A_54 = arith.constant 96 : index
    %get3A_55 = tpu.vector_load %arg6[%get3A_53, %get3A_54] {strides = array<i32>} : memref<104x128xi32, #tpu.memory_space<vmem>>, vector<1x16xi32>,
    %get3A_56 = vector.shape_cast %get3A_55 : vector<1x16xi32> to vector<16xi32>
    %swap3A_57 = arith.constant 96 : index
    %swap3A_58 = tpu.vector_load %arg7[%swap3A_57] {strides = array<i32>} : memref<128xi32, #tpu.memory_space<vmem>>, vector<16xi32>,
    %swap3A_59 = vector.shape_cast %swap3A_58 : vector<16xi32> to vector<16xi32>
    %swap3A_60 = vector.shape_cast %get3A_56 : vector<16xi32> to vector<16xi32>
    tpu.vector_store %arg7[%swap3A_57], %swap3A_60 {strides = array<i32>} : memref<128xi32, #tpu.memory_space<vmem>>, vector<16xi32>,
    %get3A_61 = arith.index_cast %select_n3A : i32 to index
    %get3A_62 = arith.constant 112 : index
    %get3A_63 = tpu.vector_load %arg6[%get3A_61, %get3A_62] {strides = array<i32>} : memref<104x128xi32, #tpu.memory_space<vmem>>, vector<1x16xi32>,
    %get3A_64 = vector.shape_cast %get3A_63 : vector<1x16xi32> to vector<16xi32>
    %swap3A_65 = arith.constant 112 : index
    %swap3A_66 = tpu.vector_load %arg7[%swap3A_65] {strides = array<i32>} : memref<128xi32, #tpu.memory_space<vmem>>, vector<16xi32>,
    %swap3A_67 = vector.shape_cast %swap3A_66 : vector<16xi32> to vector<16xi32>
    %swap3A_68 = vector.shape_cast %get3A_64 : vector<16xi32> to vector<16xi32>
    tpu.vector_store %arg7[%swap3A_65], %swap3A_68 {strides = array<i32>} : memref<128xi32, #tpu.memory_space<vmem>>, vector<16xi32>,
    %dma_start3A = arith.constant 0 : i32
    %dma_start3A_69 = arith.constant 0 : i32
    %dma_start3A_70 = tpu.memref_slice %arg3[%dma_start3A, %dma_start3A_69] : memref<1000000x128xf32, #tpu.memory_space<hbm>> -> memref<1000000x128xf32, #tpu.memory_space<hbm>>
    tpu.enqueue_indirect_dma source(%dma_start3A_70 : memref<1000000x128xf32, #tpu.memory_space<hbm>>) target(%arg9 : memref<128x128xf32, #tpu.memory_space<vmem>>) offsets(%arg7 : memref<128xi32, #tpu.memory_space<vmem>>) semaphore(%arg14 : memref<!tpu.dma_semaphore, #tpu.memory_space<semaphore_mem>>)
    %scan3A = arith.constant 0 : i32
    %scan3A_71 = arith.constant 100 : i32
    %scan3A_72 = arith.addi %scan3A, %scan3A_71 : i32
    %scan3A_73 = arith.constant 1 : i32
    scf.for %scan3A_80 = %scan3A to %scan3A_72 step %scan3A_73  : i32 {
      %mul3A_81 = arith.constant 2 : i32
      %mul3A_82 = arith.muli %mul3A_81, %scan3A_80 : i32
      %gt3A = arith.constant 0 : i32
      %gt3A_83 = arith.cmpi sgt, %scan3A_80, %gt3A : i32
      %convert_element_type3A = arith.extui %gt3A_83 : i1 to i32
      %cond3A = arith.constant 0 : i32
      %cond3A_84 = arith.cmpi ne, %convert_element_type3A, %cond3A : i32
      scf.if %cond3A_84 {
        %sub3A_218 = arith.constant 1 : i32
        %sub3A_219 = arith.subi %mul3A_82, %sub3A_218 : i32
        %mul3A_220 = arith.constant 128 : i32
        %mul3A_221 = arith.muli %sub3A_219, %mul3A_220 : i32
        %add3A_222 = arith.addi %mul3A_4, %mul3A_221 : i32
        %dma_wait3A_223 = arith.constant 0 : i32
        %dma_wait3A_224 = tpu.memref_slice %arg5[%add3A_222, %dma_wait3A_223] : memref<819200x64xf32, #tpu.memory_space<hbm>> -> memref<128x64xf32, #tpu.memory_space<hbm>>
        %dma_wait3A_225 = arith.constant 0 : i32
        %dma_wait3A_226 = tpu.memref_slice %arg5[%add3A_222, %dma_wait3A_225] : memref<819200x64xf32, #tpu.memory_space<hbm>> -> memref<128x64xf32, #tpu.memory_space<hbm>>
        tpu.wait_dma2 semaphore(%arg17 : memref<!tpu.dma_semaphore, #tpu.memory_space<semaphore_mem>>) src(%arg12 : memref<128x64xf32, #tpu.memory_space<vmem>>) dst(%dma_wait3A_226 : memref<128x64xf32, #tpu.memory_space<hbm>>)
      } else {
      }
      %add3A_85 = arith.constant 1 : i32
      %add3A_86 = arith.addi %mul3A_82, %add3A_85 : i32
      %lt3A = arith.constant 104 : i32
      %lt3A_87 = arith.cmpi slt, %add3A_86, %lt3A : i32
      %sub3A = arith.constant 104 : i32
      %sub3A_88 = arith.subi %add3A_86, %sub3A : i32
      %select_n3A_89 = arith.select %lt3A_87, %add3A_86, %sub3A_88 : i32
      %get3A_90 = arith.index_cast %select_n3A_89 : i32 to index
      %get3A_91 = arith.constant 0 : index
      %get3A_92 = tpu.vector_load %arg6[%get3A_90, %get3A_91] {strides = array<i32>} : memref<104x128xi32, #tpu.memory_space<vmem>>, vector<1x16xi32>,
      %get3A_93 = vector.shape_cast %get3A_92 : vector<1x16xi32> to vector<16xi32>
      %swap3A_94 = arith.constant 0 : index
      %swap3A_95 = tpu.vector_load %arg8[%swap3A_94] {strides = array<i32>} : memref<128xi32, #tpu.memory_space<vmem>>, vector<16xi32>,
      %swap3A_96 = vector.shape_cast %swap3A_95 : vector<16xi32> to vector<16xi32>
      %swap3A_97 = vector.shape_cast %get3A_93 : vector<16xi32> to vector<16xi32>
      tpu.vector_store %arg8[%swap3A_94], %swap3A_97 {strides = array<i32>} : memref<128xi32, #tpu.memory_space<vmem>>, vector<16xi32>,
      %get3A_98 = arith.index_cast %select_n3A_89 : i32 to index
      %get3A_99 = arith.constant 16 : index
      %get3A_100 = tpu.vector_load %arg6[%get3A_98, %get3A_99] {strides = array<i32>} : memref<104x128xi32, #tpu.memory_space<vmem>>, vector<1x16xi32>,
      %get3A_101 = vector.shape_cast %get3A_100 : vector<1x16xi32> to vector<16xi32>
      %swap3A_102 = arith.constant 16 : index
      %swap3A_103 = tpu.vector_load %arg8[%swap3A_102] {strides = array<i32>} : memref<128xi32, #tpu.memory_space<vmem>>, vector<16xi32>,
      %swap3A_104 = vector.shape_cast %swap3A_103 : vector<16xi32> to vector<16xi32>
      %swap3A_105 = vector.shape_cast %get3A_101 : vector<16xi32> to vector<16xi32>
      tpu.vector_store %arg8[%swap3A_102], %swap3A_105 {strides = array<i32>} : memref<128xi32, #tpu.memory_space<vmem>>, vector<16xi32>,
      %get3A_106 = arith.index_cast %select_n3A_89 : i32 to index
      %get3A_107 = arith.constant 32 : index
      %get3A_108 = tpu.vector_load %arg6[%get3A_106, %get3A_107] {strides = array<i32>} : memref<104x128xi32, #tpu.memory_space<vmem>>, vector<1x16xi32>,
      %get3A_109 = vector.shape_cast %get3A_108 : vector<1x16xi32> to vector<16xi32>
      %swap3A_110 = arith.constant 32 : index
      %swap3A_111 = tpu.vector_load %arg8[%swap3A_110] {strides = array<i32>} : memref<128xi32, #tpu.memory_space<vmem>>, vector<16xi32>,
      %swap3A_112 = vector.shape_cast %swap3A_111 : vector<16xi32> to vector<16xi32>
      %swap3A_113 = vector.shape_cast %get3A_109 : vector<16xi32> to vector<16xi32>
      tpu.vector_store %arg8[%swap3A_110], %swap3A_113 {strides = array<i32>} : memref<128xi32, #tpu.memory_space<vmem>>, vector<16xi32>,
      %get3A_114 = arith.index_cast %select_n3A_89 : i32 to index
      %get3A_115 = arith.constant 48 : index
      %get3A_116 = tpu.vector_load %arg6[%get3A_114, %get3A_115] {strides = array<i32>} : memref<104x128xi32, #tpu.memory_space<vmem>>, vector<1x16xi32>,
      %get3A_117 = vector.shape_cast %get3A_116 : vector<1x16xi32> to vector<16xi32>
      %swap3A_118 = arith.constant 48 : index
      %swap3A_119 = tpu.vector_load %arg8[%swap3A_118] {strides = array<i32>} : memref<128xi32, #tpu.memory_space<vmem>>, vector<16xi32>,
      %swap3A_120 = vector.shape_cast %swap3A_119 : vector<16xi32> to vector<16xi32>
      %swap3A_121 = vector.shape_cast %get3A_117 : vector<16xi32> to vector<16xi32>
      tpu.vector_store %arg8[%swap3A_118], %swap3A_121 {strides = array<i32>} : memref<128xi32, #tpu.memory_space<vmem>>, vector<16xi32>,
      %get3A_122 = arith.index_cast %select_n3A_89 : i32 to index
      %get3A_123 = arith.constant 64 : index
      %get3A_124 = tpu.vector_load %arg6[%get3A_122, %get3A_123] {strides = array<i32>} : memref<104x128xi32, #tpu.memory_space<vmem>>, vector<1x16xi32>,
      %get3A_125 = vector.shape_cast %get3A_124 : vector<1x16xi32> to vector<16xi32>
      %swap3A_126 = arith.constant 64 : index
      %swap3A_127 = tpu.vector_load %arg8[%swap3A_126] {strides = array<i32>} : memref<128xi32, #tpu.memory_space<vmem>>, vector<16xi32>,
      %swap3A_128 = vector.shape_cast %swap3A_127 : vector<16xi32> to vector<16xi32>
      %swap3A_129 = vector.shape_cast %get3A_125 : vector<16xi32> to vector<16xi32>
      tpu.vector_store %arg8[%swap3A_126], %swap3A_129 {strides = array<i32>} : memref<128xi32, #tpu.memory_space<vmem>>, vector<16xi32>,
      %get3A_130 = arith.index_cast %select_n3A_89 : i32 to index
      %get3A_131 = arith.constant 80 : index
      %get3A_132 = tpu.vector_load %arg6[%get3A_130, %get3A_131] {strides = array<i32>} : memref<104x128xi32, #tpu.memory_space<vmem>>, vector<1x16xi32>,
      %get3A_133 = vector.shape_cast %get3A_132 : vector<1x16xi32> to vector<16xi32>
      %swap3A_134 = arith.constant 80 : index
      %swap3A_135 = tpu.vector_load %arg8[%swap3A_134] {strides = array<i32>} : memref<128xi32, #tpu.memory_space<vmem>>, vector<16xi32>,
      %swap3A_136 = vector.shape_cast %swap3A_135 : vector<16xi32> to vector<16xi32>
      %swap3A_137 = vector.shape_cast %get3A_133 : vector<16xi32> to vector<16xi32>
      tpu.vector_store %arg8[%swap3A_134], %swap3A_137 {strides = array<i32>} : memref<128xi32, #tpu.memory_space<vmem>>, vector<16xi32>,
      %get3A_138 = arith.index_cast %select_n3A_89 : i32 to index
      %get3A_139 = arith.constant 96 : index
      %get3A_140 = tpu.vector_load %arg6[%get3A_138, %get3A_139] {strides = array<i32>} : memref<104x128xi32, #tpu.memory_space<vmem>>, vector<1x16xi32>,
      %get3A_141 = vector.shape_cast %get3A_140 : vector<1x16xi32> to vector<16xi32>
      %swap3A_142 = arith.constant 96 : index
      %swap3A_143 = tpu.vector_load %arg8[%swap3A_142] {strides = array<i32>} : memref<128xi32, #tpu.memory_space<vmem>>, vector<16xi32>,
      %swap3A_144 = vector.shape_cast %swap3A_143 : vector<16xi32> to vector<16xi32>
      %swap3A_145 = vector.shape_cast %get3A_141 : vector<16xi32> to vector<16xi32>
      tpu.vector_store %arg8[%swap3A_142], %swap3A_145 {strides = array<i32>} : memref<128xi32, #tpu.memory_space<vmem>>, vector<16xi32>,
      %get3A_146 = arith.index_cast %select_n3A_89 : i32 to index
      %get3A_147 = arith.constant 112 : index
      %get3A_148 = tpu.vector_load %arg6[%get3A_146, %get3A_147] {strides = array<i32>} : memref<104x128xi32, #tpu.memory_space<vmem>>, vector<1x16xi32>,
      %get3A_149 = vector.shape_cast %get3A_148 : vector<1x16xi32> to vector<16xi32>
      %swap3A_150 = arith.constant 112 : index
      %swap3A_151 = tpu.vector_load %arg8[%swap3A_150] {strides = array<i32>} : memref<128xi32, #tpu.memory_space<vmem>>, vector<16xi32>,
      %swap3A_152 = vector.shape_cast %swap3A_151 : vector<16xi32> to vector<16xi32>
      %swap3A_153 = vector.shape_cast %get3A_149 : vector<16xi32> to vector<16xi32>
      tpu.vector_store %arg8[%swap3A_150], %swap3A_153 {strides = array<i32>} : memref<128xi32, #tpu.memory_space<vmem>>, vector<16xi32>,
      %dma_start3A_154 = arith.constant 0 : i32
      %dma_start3A_155 = arith.constant 0 : i32
      %dma_start3A_156 = tpu.memref_slice %arg3[%dma_start3A_154, %dma_start3A_155] : memref<1000000x128xf32, #tpu.memory_space<hbm>> -> memref<1000000x128xf32, #tpu.memory_space<hbm>>
      tpu.enqueue_indirect_dma source(%dma_start3A_156 : memref<1000000x128xf32, #tpu.memory_space<hbm>>) target(%arg10 : memref<128x128xf32, #tpu.memory_space<vmem>>) offsets(%arg8 : memref<128xi32, #tpu.memory_space<vmem>>) semaphore(%arg15 : memref<!tpu.dma_semaphore, #tpu.memory_space<semaphore_mem>>)
      %dma_wait3A_157 = arith.constant 0 : i32
      %dma_wait3A_158 = arith.constant 0 : i32
      %dma_wait3A_159 = tpu.memref_slice %arg3[%dma_wait3A_157, %dma_wait3A_158] : memref<1000000x128xf32, #tpu.memory_space<hbm>> -> memref<1000000x128xf32, #tpu.memory_space<hbm>>
      tpu.wait_indirect_dma semaphore(%arg14 : memref<!tpu.dma_semaphore, #tpu.memory_space<semaphore_mem>>) src(%dma_wait3A_159 : memref<1000000x128xf32, #tpu.memory_space<hbm>>) dst(%arg9 : memref<128x128xf32, #tpu.memory_space<vmem>>)
      %mul3A_160 = arith.constant 128 : i32
      %mul3A_161 = arith.muli %mul3A_82, %mul3A_160 : i32
      %rem3A = arith.constant 200 : i32
      %rem3A_162 = arith.remsi %mul3A_161, %rem3A : i32
      %scan3A_163 = arith.constant 0 : i32
      %scan3A_164 = arith.constant 128 : i32
      %scan3A_165 = arith.addi %scan3A_163, %scan3A_164 : i32
      %scan3A_166 = arith.constant 1 : i32
      scf.for %scan3A_218 = %scan3A_163 to %scan3A_165 step %scan3A_166  : i32 {
        %get3A_219 = arith.index_cast %scan3A_218 : i32 to index
        %get3A_220 = arith.constant 0 : index
        %get3A_221 = tpu.vector_load %arg9[%get3A_219, %get3A_220] {strides = array<i32>} : memref<128x128xf32, #tpu.memory_space<vmem>>, vector<1x16xf32>,
        %get3A_222 = vector.shape_cast %get3A_221 : vector<1x16xf32> to vector<16xf32>
        %add3A_223 = arith.addi %rem3A_162, %scan3A_218 : i32
        %get3A_224 = arith.index_cast %add3A_223 : i32 to index
        %get3A_225 = arith.constant 0 : index
        %get3A_226 = tpu.vector_load %arg13[%get3A_224, %get3A_225] {strides = array<i32>} : memref<328x64xf32, #tpu.memory_space<vmem>>, vector<1x16xf32>,
        %get3A_227 = vector.shape_cast %get3A_226 : vector<1x16xf32> to vector<16xf32>
        %add3A_228 = arith.addf %get3A_222, %get3A_227 : vector<16xf32>
        %swap3A_229 = arith.index_cast %scan3A_218 : i32 to index
        %swap3A_230 = arith.constant 0 : index
        %swap3A_231 = tpu.vector_load %arg11[%swap3A_229, %swap3A_230] {strides = array<i32>} : memref<128x64xf32, #tpu.memory_space<vmem>>, vector<1x16xf32>,
        %swap3A_232 = vector.shape_cast %swap3A_231 : vector<1x16xf32> to vector<16xf32>
        %swap3A_233 = vector.shape_cast %add3A_228 : vector<16xf32> to vector<1x16xf32>
        tpu.vector_store %arg11[%swap3A_229, %swap3A_230], %swap3A_233 {strides = array<i32>} : memref<128x64xf32, #tpu.memory_space<vmem>>, vector<1x16xf32>,
        %get3A_234 = arith.index_cast %scan3A_218 : i32 to index
        %get3A_235 = arith.constant 16 : index
        %get3A_236 = tpu.vector_load %arg9[%get3A_234, %get3A_235] {strides = array<i32>} : memref<128x128xf32, #tpu.memory_space<vmem>>, vector<1x16xf32>,
        %get3A_237 = vector.shape_cast %get3A_236 : vector<1x16xf32> to vector<16xf32>
        %add3A_238 = arith.addi %rem3A_162, %scan3A_218 : i32
        %get3A_239 = arith.index_cast %add3A_238 : i32 to index
        %get3A_240 = arith.constant 16 : index
        %get3A_241 = tpu.vector_load %arg13[%get3A_239, %get3A_240] {strides = array<i32>} : memref<328x64xf32, #tpu.memory_space<vmem>>, vector<1x16xf32>,
        %get3A_242 = vector.shape_cast %get3A_241 : vector<1x16xf32> to vector<16xf32>
        %add3A_243 = arith.addf %get3A_237, %get3A_242 : vector<16xf32>
        %swap3A_244 = arith.index_cast %scan3A_218 : i32 to index
        %swap3A_245 = arith.constant 16 : index
        %swap3A_246 = tpu.vector_load %arg11[%swap3A_244, %swap3A_245] {strides = array<i32>} : memref<128x64xf32, #tpu.memory_space<vmem>>, vector<1x16xf32>,
        %swap3A_247 = vector.shape_cast %swap3A_246 : vector<1x16xf32> to vector<16xf32>
        %swap3A_248 = vector.shape_cast %add3A_243 : vector<16xf32> to vector<1x16xf32>
        tpu.vector_store %arg11[%swap3A_244, %swap3A_245], %swap3A_248 {strides = array<i32>} : memref<128x64xf32, #tpu.memory_space<vmem>>, vector<1x16xf32>,
        %get3A_249 = arith.index_cast %scan3A_218 : i32 to index
        %get3A_250 = arith.constant 32 : index
        %get3A_251 = tpu.vector_load %arg9[%get3A_249, %get3A_250] {strides = array<i32>} : memref<128x128xf32, #tpu.memory_space<vmem>>, vector<1x16xf32>,
        %get3A_252 = vector.shape_cast %get3A_251 : vector<1x16xf32> to vector<16xf32>
        %add3A_253 = arith.addi %rem3A_162, %scan3A_218 : i32
        %get3A_254 = arith.index_cast %add3A_253 : i32 to index
        %get3A_255 = arith.constant 32 : index
        %get3A_256 = tpu.vector_load %arg13[%get3A_254, %get3A_255] {strides = array<i32>} : memref<328x64xf32, #tpu.memory_space<vmem>>, vector<1x16xf32>,
        %get3A_257 = vector.shape_cast %get3A_256 : vector<1x16xf32> to vector<16xf32>
        %add3A_258 = arith.addf %get3A_252, %get3A_257 : vector<16xf32>
        %swap3A_259 = arith.index_cast %scan3A_218 : i32 to index
        %swap3A_260 = arith.constant 32 : index
        %swap3A_261 = tpu.vector_load %arg11[%swap3A_259, %swap3A_260] {strides = array<i32>} : memref<128x64xf32, #tpu.memory_space<vmem>>, vector<1x16xf32>,
        %swap3A_262 = vector.shape_cast %swap3A_261 : vector<1x16xf32> to vector<16xf32>
        %swap3A_263 = vector.shape_cast %add3A_258 : vector<16xf32> to vector<1x16xf32>
        tpu.vector_store %arg11[%swap3A_259, %swap3A_260], %swap3A_263 {strides = array<i32>} : memref<128x64xf32, #tpu.memory_space<vmem>>, vector<1x16xf32>,
        %get3A_264 = arith.index_cast %scan3A_218 : i32 to index
        %get3A_265 = arith.constant 48 : index
        %get3A_266 = tpu.vector_load %arg9[%get3A_264, %get3A_265] {strides = array<i32>} : memref<128x128xf32, #tpu.memory_space<vmem>>, vector<1x16xf32>,
        %get3A_267 = vector.shape_cast %get3A_266 : vector<1x16xf32> to vector<16xf32>
        %add3A_268 = arith.addi %rem3A_162, %scan3A_218 : i32
        %get3A_269 = arith.index_cast %add3A_268 : i32 to index
        %get3A_270 = arith.constant 48 : index
        %get3A_271 = tpu.vector_load %arg13[%get3A_269, %get3A_270] {strides = array<i32>} : memref<328x64xf32, #tpu.memory_space<vmem>>, vector<1x16xf32>,
        %get3A_272 = vector.shape_cast %get3A_271 : vector<1x16xf32> to vector<16xf32>
        %add3A_273 = arith.addf %get3A_267, %get3A_272 : vector<16xf32>
        %swap3A_274 = arith.index_cast %scan3A_218 : i32 to index
        %swap3A_275 = arith.constant 48 : index
        %swap3A_276 = tpu.vector_load %arg11[%swap3A_274, %swap3A_275] {strides = array<i32>} : memref<128x64xf32, #tpu.memory_space<vmem>>, vector<1x16xf32>,
        %swap3A_277 = vector.shape_cast %swap3A_276 : vector<1x16xf32> to vector<16xf32>
        %swap3A_278 = vector.shape_cast %add3A_273 : vector<16xf32> to vector<1x16xf32>
        tpu.vector_store %arg11[%swap3A_274, %swap3A_275], %swap3A_278 {strides = array<i32>} : memref<128x64xf32, #tpu.memory_space<vmem>>, vector<1x16xf32>,
      }
      %scan3A_167 = arith.constant 128 : i32
      %mul3A_168 = arith.constant 128 : i32
      %mul3A_169 = arith.muli %mul3A_82, %mul3A_168 : i32
      %add3A_170 = arith.addi %mul3A_4, %mul3A_169 : i32
      %dma_start3A_171 = arith.constant 0 : i32
      %dma_start3A_172 = tpu.memref_slice %arg5[%add3A_170, %dma_start3A_171] : memref<819200x64xf32, #tpu.memory_space<hbm>> -> memref<128x64xf32, #tpu.memory_space<hbm>>
      %dma_start3A_173 = arith.constant 0 : i32
      %dma_start3A_174 = tpu.memref_slice %arg5[%add3A_170, %dma_start3A_173] : memref<819200x64xf32, #tpu.memory_space<hbm>> -> memref<128x64xf32, #tpu.memory_space<hbm>>
      tpu.enqueue_dma source(%arg11 : memref<128x64xf32, #tpu.memory_space<vmem>>) target(%dma_start3A_174 : memref<128x64xf32, #tpu.memory_space<hbm>>) target_semaphore(%arg16 : memref<!tpu.dma_semaphore, #tpu.memory_space<semaphore_mem>>)
      %mul3A_175 = arith.constant 128 : i32
      %mul3A_176 = arith.muli %mul3A_82, %mul3A_175 : i32
      %add3A_177 = arith.addi %mul3A_4, %mul3A_176 : i32
      %dma_wait3A_178 = arith.constant 0 : i32
      %dma_wait3A_179 = tpu.memref_slice %arg5[%add3A_177, %dma_wait3A_178] : memref<819200x64xf32, #tpu.memory_space<hbm>> -> memref<128x64xf32, #tpu.memory_space<hbm>>
      %dma_wait3A_180 = arith.constant 0 : i32
      %dma_wait3A_181 = tpu.memref_slice %arg5[%add3A_177, %dma_wait3A_180] : memref<819200x64xf32, #tpu.memory_space<hbm>> -> memref<128x64xf32, #tpu.memory_space<hbm>>
      tpu.wait_dma2 semaphore(%arg16 : memref<!tpu.dma_semaphore, #tpu.memory_space<semaphore_mem>>) src(%arg11 : memref<128x64xf32, #tpu.memory_space<vmem>>) dst(%dma_wait3A_181 : memref<128x64xf32, #tpu.memory_space<hbm>>)
      %mul3A_182 = arith.constant 2 : i32
      %mul3A_183 = arith.muli %mul3A_182, %scan3A_80 : i32
      %add3A_184 = arith.constant 2 : i32
      %add3A_185 = arith.addi %mul3A_183, %add3A_184 : i32
      %eq3A = arith.constant 104 : i32
      %eq3A_186 = arith.cmpi eq, %add3A_185, %eq3A : i32
      %convert_element_type3A_187 = arith.extui %eq3A_186 : i1 to i32
      %cond3A_188 = arith.constant 0 : i32
      %cond3A_189 = arith.cmpi ne, %convert_element_type3A_187, %cond3A_188 : i32
      scf.if %cond3A_189 {
        %add3A_218 = arith.constant 104 : i32
        %add3A_219 = arith.addi %mul3A_2, %add3A_218 : i32
        "tpu.region"() ({
          %run_scoped3A = tpu.sem_alloc : memref<!tpu.dma_semaphore, #tpu.memory_space<semaphore_mem>>
          %dma_start3A_220 = arith.constant 0 : i32
          %dma_start3A_221 = arith.constant 0 : i32
          %dma_start3A_222 = tpu.memref_slice %arg6[%dma_start3A_220, %dma_start3A_221] : memref<104x128xi32, #tpu.memory_space<vmem>> -> memref<96x128xi32, #tpu.memory_space<vmem>>
          %dma_start3A_223 = arith.constant 0 : i32
          %dma_start3A_224 = tpu.memref_slice %arg2[%add3A_219, %dma_start3A_223] : memref<6400x128xi32, #tpu.memory_space<hbm>> -> memref<96x128xi32, #tpu.memory_space<hbm>>
          %dma_start3A_225 = arith.constant 0 : i32
          %dma_start3A_226 = arith.constant 0 : i32
          %dma_start3A_227 = tpu.memref_slice %arg6[%dma_start3A_225, %dma_start3A_226] : memref<104x128xi32, #tpu.memory_space<vmem>> -> memref<96x128xi32, #tpu.memory_space<vmem>>
          %dma_start3A_228 = arith.constant 0 : i32
          %dma_start3A_229 = tpu.memref_slice %arg2[%add3A_219, %dma_start3A_228] : memref<6400x128xi32, #tpu.memory_space<hbm>> -> memref<96x128xi32, #tpu.memory_space<hbm>>
          tpu.enqueue_dma source(%dma_start3A_229 : memref<96x128xi32, #tpu.memory_space<hbm>>) target(%dma_start3A_227 : memref<96x128xi32, #tpu.memory_space<vmem>>) target_semaphore(%run_scoped3A : memref<!tpu.dma_semaphore, #tpu.memory_space<semaphore_mem>>)
          %dma_wait3A_230 = arith.constant 0 : i32
          %dma_wait3A_231 = arith.constant 0 : i32
          %dma_wait3A_232 = tpu.memref_slice %arg6[%dma_wait3A_230, %dma_wait3A_231] : memref<104x128xi32, #tpu.memory_space<vmem>> -> memref<96x128xi32, #tpu.memory_space<vmem>>
          %dma_wait3A_233 = arith.constant 0 : i32
          %dma_wait3A_234 = tpu.memref_slice %arg2[%add3A_219, %dma_wait3A_233] : memref<6400x128xi32, #tpu.memory_space<hbm>> -> memref<96x128xi32, #tpu.memory_space<hbm>>
          %dma_wait3A_235 = arith.constant 0 : i32
          %dma_wait3A_236 = arith.constant 0 : i32
          %dma_wait3A_237 = tpu.memref_slice %arg6[%dma_wait3A_235, %dma_wait3A_236] : memref<104x128xi32, #tpu.memory_space<vmem>> -> memref<96x128xi32, #tpu.memory_space<vmem>>
          %dma_wait3A_238 = arith.constant 0 : i32
          %dma_wait3A_239 = tpu.memref_slice %arg2[%add3A_219, %dma_wait3A_238] : memref<6400x128xi32, #tpu.memory_space<hbm>> -> memref<96x128xi32, #tpu.memory_space<hbm>>
          tpu.wait_dma2 semaphore(%run_scoped3A : memref<!tpu.dma_semaphore, #tpu.memory_space<semaphore_mem>>) src(%dma_wait3A_239 : memref<96x128xi32, #tpu.memory_space<hbm>>) dst(%dma_wait3A_237 : memref<96x128xi32, #tpu.memory_space<vmem>>)
          tpu.yield
        }) : () -> ()
      } else {
      }
      %lt3A_190 = arith.constant 99 : i32
      %lt3A_191 = arith.cmpi slt, %scan3A_80, %lt3A_190 : i32
      %convert_element_type3A_192 = arith.extui %lt3A_191 : i1 to i32
      %cond3A_193 = arith.constant 0 : i32
      %cond3A_194 = arith.cmpi ne, %convert_element_type3A_192, %cond3A_193 : i32
      scf.if %cond3A_194 {
        %add3A_218 = arith.constant 2 : i32
        %add3A_219 = arith.addi %mul3A_82, %add3A_218 : i32
        %lt3A_220 = arith.constant 104 : i32
        %lt3A_221 = arith.cmpi slt, %add3A_219, %lt3A_220 : i32
        %sub3A_222 = arith.constant 104 : i32
        %sub3A_223 = arith.subi %add3A_219, %sub3A_222 : i32
        %select_n3A_224 = arith.select %lt3A_221, %add3A_219, %sub3A_223 : i32
        %get3A_225 = arith.index_cast %select_n3A_224 : i32 to index
        %get3A_226 = arith.constant 0 : index
        %get3A_227 = tpu.vector_load %arg6[%get3A_225, %get3A_226] {strides = array<i32>} : memref<104x128xi32, #tpu.memory_space<vmem>>, vector<1x16xi32>,
        %get3A_228 = vector.shape_cast %get3A_227 : vector<1x16xi32> to vector<16xi32>
        %swap3A_229 = arith.constant 0 : index
        %swap3A_230 = tpu.vector_load %arg7[%swap3A_229] {strides = array<i32>} : memref<128xi32, #tpu.memory_space<vmem>>, vector<16xi32>,
        %swap3A_231 = vector.shape_cast %swap3A_230 : vector<16xi32> to vector<16xi32>
        %swap3A_232 = vector.shape_cast %get3A_228 : vector<16xi32> to vector<16xi32>
        tpu.vector_store %arg7[%swap3A_229], %swap3A_232 {strides = array<i32>} : memref<128xi32, #tpu.memory_space<vmem>>, vector<16xi32>,
        %get3A_233 = arith.index_cast %select_n3A_224 : i32 to index
        %get3A_234 = arith.constant 16 : index
        %get3A_235 = tpu.vector_load %arg6[%get3A_233, %get3A_234] {strides = array<i32>} : memref<104x128xi32, #tpu.memory_space<vmem>>, vector<1x16xi32>,
        %get3A_236 = vector.shape_cast %get3A_235 : vector<1x16xi32> to vector<16xi32>
        %swap3A_237 = arith.constant 16 : index
        %swap3A_238 = tpu.vector_load %arg7[%swap3A_237] {strides = array<i32>} : memref<128xi32, #tpu.memory_space<vmem>>, vector<16xi32>,
        %swap3A_239 = vector.shape_cast %swap3A_238 : vector<16xi32> to vector<16xi32>
        %swap3A_240 = vector.shape_cast %get3A_236 : vector<16xi32> to vector<16xi32>
        tpu.vector_store %arg7[%swap3A_237], %swap3A_240 {strides = array<i32>} : memref<128xi32, #tpu.memory_space<vmem>>, vector<16xi32>,
        %get3A_241 = arith.index_cast %select_n3A_224 : i32 to index
        %get3A_242 = arith.constant 32 : index
        %get3A_243 = tpu.vector_load %arg6[%get3A_241, %get3A_242] {strides = array<i32>} : memref<104x128xi32, #tpu.memory_space<vmem>>, vector<1x16xi32>,
        %get3A_244 = vector.shape_cast %get3A_243 : vector<1x16xi32> to vector<16xi32>
        %swap3A_245 = arith.constant 32 : index
        %swap3A_246 = tpu.vector_load %arg7[%swap3A_245] {strides = array<i32>} : memref<128xi32, #tpu.memory_space<vmem>>, vector<16xi32>,
        %swap3A_247 = vector.shape_cast %swap3A_246 : vector<16xi32> to vector<16xi32>
        %swap3A_248 = vector.shape_cast %get3A_244 : vector<16xi32> to vector<16xi32>
        tpu.vector_store %arg7[%swap3A_245], %swap3A_248 {strides = array<i32>} : memref<128xi32, #tpu.memory_space<vmem>>, vector<16xi32>,
        %get3A_249 = arith.index_cast %select_n3A_224 : i32 to index
        %get3A_250 = arith.constant 48 : index
        %get3A_251 = tpu.vector_load %arg6[%get3A_249, %get3A_250] {strides = array<i32>} : memref<104x128xi32, #tpu.memory_space<vmem>>, vector<1x16xi32>,
        %get3A_252 = vector.shape_cast %get3A_251 : vector<1x16xi32> to vector<16xi32>
        %swap3A_253 = arith.constant 48 : index
        %swap3A_254 = tpu.vector_load %arg7[%swap3A_253] {strides = array<i32>} : memref<128xi32, #tpu.memory_space<vmem>>, vector<16xi32>,
        %swap3A_255 = vector.shape_cast %swap3A_254 : vector<16xi32> to vector<16xi32>
        %swap3A_256 = vector.shape_cast %get3A_252 : vector<16xi32> to vector<16xi32>
        tpu.vector_store %arg7[%swap3A_253], %swap3A_256 {strides = array<i32>} : memref<128xi32, #tpu.memory_space<vmem>>, vector<16xi32>,
        %get3A_257 = arith.index_cast %select_n3A_224 : i32 to index
        %get3A_258 = arith.constant 64 : index
        %get3A_259 = tpu.vector_load %arg6[%get3A_257, %get3A_258] {strides = array<i32>} : memref<104x128xi32, #tpu.memory_space<vmem>>, vector<1x16xi32>,
        %get3A_260 = vector.shape_cast %get3A_259 : vector<1x16xi32> to vector<16xi32>
        %swap3A_261 = arith.constant 64 : index
        %swap3A_262 = tpu.vector_load %arg7[%swap3A_261] {strides = array<i32>} : memref<128xi32, #tpu.memory_space<vmem>>, vector<16xi32>,
        %swap3A_263 = vector.shape_cast %swap3A_262 : vector<16xi32> to vector<16xi32>
        %swap3A_264 = vector.shape_cast %get3A_260 : vector<16xi32> to vector<16xi32>
        tpu.vector_store %arg7[%swap3A_261], %swap3A_264 {strides = array<i32>} : memref<128xi32, #tpu.memory_space<vmem>>, vector<16xi32>,
        %get3A_265 = arith.index_cast %select_n3A_224 : i32 to index
        %get3A_266 = arith.constant 80 : index
        %get3A_267 = tpu.vector_load %arg6[%get3A_265, %get3A_266] {strides = array<i32>} : memref<104x128xi32, #tpu.memory_space<vmem>>, vector<1x16xi32>,
        %get3A_268 = vector.shape_cast %get3A_267 : vector<1x16xi32> to vector<16xi32>
        %swap3A_269 = arith.constant 80 : index
        %swap3A_270 = tpu.vector_load %arg7[%swap3A_269] {strides = array<i32>} : memref<128xi32, #tpu.memory_space<vmem>>, vector<16xi32>,
        %swap3A_271 = vector.shape_cast %swap3A_270 : vector<16xi32> to vector<16xi32>
        %swap3A_272 = vector.shape_cast %get3A_268 : vector<16xi32> to vector<16xi32>
        tpu.vector_store %arg7[%swap3A_269], %swap3A_272 {strides = array<i32>} : memref<128xi32, #tpu.memory_space<vmem>>, vector<16xi32>,
        %get3A_273 = arith.index_cast %select_n3A_224 : i32 to index
        %get3A_274 = arith.constant 96 : index
        %get3A_275 = tpu.vector_load %arg6[%get3A_273, %get3A_274] {strides = array<i32>} : memref<104x128xi32, #tpu.memory_space<vmem>>, vector<1x16xi32>,
        %get3A_276 = vector.shape_cast %get3A_275 : vector<1x16xi32> to vector<16xi32>
        %swap3A_277 = arith.constant 96 : index
        %swap3A_278 = tpu.vector_load %arg7[%swap3A_277] {strides = array<i32>} : memref<128xi32, #tpu.memory_space<vmem>>, vector<16xi32>,
        %swap3A_279 = vector.shape_cast %swap3A_278 : vector<16xi32> to vector<16xi32>
        %swap3A_280 = vector.shape_cast %get3A_276 : vector<16xi32> to vector<16xi32>
        tpu.vector_store %arg7[%swap3A_277], %swap3A_280 {strides = array<i32>} : memref<128xi32, #tpu.memory_space<vmem>>, vector<16xi32>,
        %get3A_281 = arith.index_cast %select_n3A_224 : i32 to index
        %get3A_282 = arith.constant 112 : index
        %get3A_283 = tpu.vector_load %arg6[%get3A_281, %get3A_282] {strides = array<i32>} : memref<104x128xi32, #tpu.memory_space<vmem>>, vector<1x16xi32>,
        %get3A_284 = vector.shape_cast %get3A_283 : vector<1x16xi32> to vector<16xi32>
        %swap3A_285 = arith.constant 112 : index
        %swap3A_286 = tpu.vector_load %arg7[%swap3A_285] {strides = array<i32>} : memref<128xi32, #tpu.memory_space<vmem>>, vector<16xi32>,
        %swap3A_287 = vector.shape_cast %swap3A_286 : vector<16xi32> to vector<16xi32>
        %swap3A_288 = vector.shape_cast %get3A_284 : vector<16xi32> to vector<16xi32>
        tpu.vector_store %arg7[%swap3A_285], %swap3A_288 {strides = array<i32>} : memref<128xi32, #tpu.memory_space<vmem>>, vector<16xi32>,
        %dma_start3A_289 = arith.constant 0 : i32
        %dma_start3A_290 = arith.constant 0 : i32
        %dma_start3A_291 = tpu.memref_slice %arg3[%dma_start3A_289, %dma_start3A_290] : memref<1000000x128xf32, #tpu.memory_space<hbm>> -> memref<1000000x128xf32, #tpu.memory_space<hbm>>
        tpu.enqueue_indirect_dma source(%dma_start3A_291 : memref<1000000x128xf32, #tpu.memory_space<hbm>>) target(%arg9 : memref<128x128xf32, #tpu.memory_space<vmem>>) offsets(%arg7 : memref<128xi32, #tpu.memory_space<vmem>>) semaphore(%arg14 : memref<!tpu.dma_semaphore, #tpu.memory_space<semaphore_mem>>)
      } else {
      }
      %dma_wait3A_195 = arith.constant 0 : i32
      %dma_wait3A_196 = arith.constant 0 : i32
      %dma_wait3A_197 = tpu.memref_slice %arg3[%dma_wait3A_195, %dma_wait3A_196] : memref<1000000x128xf32, #tpu.memory_space<hbm>> -> memref<1000000x128xf32, #tpu.memory_space<hbm>>
      tpu.wait_indirect_dma semaphore(%arg15 : memref<!tpu.dma_semaphore, #tpu.memory_space<semaphore_mem>>) src(%dma_wait3A_197 : memref<1000000x128xf32, #tpu.memory_space<hbm>>) dst(%arg10 : memref<128x128xf32, #tpu.memory_space<vmem>>)
      %add3A_198 = arith.constant 1 : i32
      %add3A_199 = arith.addi %mul3A_82, %add3A_198 : i32
      %mul3A_200 = arith.constant 128 : i32
      %mul3A_201 = arith.muli %add3A_199, %mul3A_200 : i32
      %rem3A_202 = arith.constant 200 : i32
      %rem3A_203 = arith.remsi %mul3A_201, %rem3A_202 : i32
      %scan3A_204 = arith.constant 0 : i32
      %scan3A_205 = arith.constant 128 : i32
      %scan3A_206 = arith.addi %scan3A_204, %scan3A_205 : i32
      %scan3A_207 = arith.constant 1 : i32
      scf.for %scan3A_218 = %scan3A_204 to %scan3A_206 step %scan3A_207  : i32 {
        %get3A_219 = arith.index_cast %scan3A_218 : i32 to index
        %get3A_220 = arith.constant 0 : index
        %get3A_221 = tpu.vector_load %arg10[%get3A_219, %get3A_220] {strides = array<i32>} : memref<128x128xf32, #tpu.memory_space<vmem>>, vector<1x16xf32>,
        %get3A_222 = vector.shape_cast %get3A_221 : vector<1x16xf32> to vector<16xf32>
        %add3A_223 = arith.addi %rem3A_203, %scan3A_218 : i32
        %get3A_224 = arith.index_cast %add3A_223 : i32 to index
        %get3A_225 = arith.constant 0 : index
        %get3A_226 = tpu.vector_load %arg13[%get3A_224, %get3A_225] {strides = array<i32>} : memref<328x64xf32, #tpu.memory_space<vmem>>, vector<1x16xf32>,
        %get3A_227 = vector.shape_cast %get3A_226 : vector<1x16xf32> to vector<16xf32>
        %add3A_228 = arith.addf %get3A_222, %get3A_227 : vector<16xf32>
        %swap3A_229 = arith.index_cast %scan3A_218 : i32 to index
        %swap3A_230 = arith.constant 0 : index
        %swap3A_231 = tpu.vector_load %arg12[%swap3A_229, %swap3A_230] {strides = array<i32>} : memref<128x64xf32, #tpu.memory_space<vmem>>, vector<1x16xf32>,
        %swap3A_232 = vector.shape_cast %swap3A_231 : vector<1x16xf32> to vector<16xf32>
        %swap3A_233 = vector.shape_cast %add3A_228 : vector<16xf32> to vector<1x16xf32>
        tpu.vector_store %arg12[%swap3A_229, %swap3A_230], %swap3A_233 {strides = array<i32>} : memref<128x64xf32, #tpu.memory_space<vmem>>, vector<1x16xf32>,
        %get3A_234 = arith.index_cast %scan3A_218 : i32 to index
        %get3A_235 = arith.constant 16 : index
        %get3A_236 = tpu.vector_load %arg10[%get3A_234, %get3A_235] {strides = array<i32>} : memref<128x128xf32, #tpu.memory_space<vmem>>, vector<1x16xf32>,
        %get3A_237 = vector.shape_cast %get3A_236 : vector<1x16xf32> to vector<16xf32>
        %add3A_238 = arith.addi %rem3A_203, %scan3A_218 : i32
        %get3A_239 = arith.index_cast %add3A_238 : i32 to index
        %get3A_240 = arith.constant 16 : index
        %get3A_241 = tpu.vector_load %arg13[%get3A_239, %get3A_240] {strides = array<i32>} : memref<328x64xf32, #tpu.memory_space<vmem>>, vector<1x16xf32>,
        %get3A_242 = vector.shape_cast %get3A_241 : vector<1x16xf32> to vector<16xf32>
        %add3A_243 = arith.addf %get3A_237, %get3A_242 : vector<16xf32>
        %swap3A_244 = arith.index_cast %scan3A_218 : i32 to index
        %swap3A_245 = arith.constant 16 : index
        %swap3A_246 = tpu.vector_load %arg12[%swap3A_244, %swap3A_245] {strides = array<i32>} : memref<128x64xf32, #tpu.memory_space<vmem>>, vector<1x16xf32>,
        %swap3A_247 = vector.shape_cast %swap3A_246 : vector<1x16xf32> to vector<16xf32>
        %swap3A_248 = vector.shape_cast %add3A_243 : vector<16xf32> to vector<1x16xf32>
        tpu.vector_store %arg12[%swap3A_244, %swap3A_245], %swap3A_248 {strides = array<i32>} : memref<128x64xf32, #tpu.memory_space<vmem>>, vector<1x16xf32>,
        %get3A_249 = arith.index_cast %scan3A_218 : i32 to index
        %get3A_250 = arith.constant 32 : index
        %get3A_251 = tpu.vector_load %arg10[%get3A_249, %get3A_250] {strides = array<i32>} : memref<128x128xf32, #tpu.memory_space<vmem>>, vector<1x16xf32>,
        %get3A_252 = vector.shape_cast %get3A_251 : vector<1x16xf32> to vector<16xf32>
        %add3A_253 = arith.addi %rem3A_203, %scan3A_218 : i32
        %get3A_254 = arith.index_cast %add3A_253 : i32 to index
        %get3A_255 = arith.constant 32 : index
        %get3A_256 = tpu.vector_load %arg13[%get3A_254, %get3A_255] {strides = array<i32>} : memref<328x64xf32, #tpu.memory_space<vmem>>, vector<1x16xf32>,
        %get3A_257 = vector.shape_cast %get3A_256 : vector<1x16xf32> to vector<16xf32>
        %add3A_258 = arith.addf %get3A_252, %get3A_257 : vector<16xf32>
        %swap3A_259 = arith.index_cast %scan3A_218 : i32 to index
        %swap3A_260 = arith.constant 32 : index
        %swap3A_261 = tpu.vector_load %arg12[%swap3A_259, %swap3A_260] {strides = array<i32>} : memref<128x64xf32, #tpu.memory_space<vmem>>, vector<1x16xf32>,
        %swap3A_262 = vector.shape_cast %swap3A_261 : vector<1x16xf32> to vector<16xf32>
        %swap3A_263 = vector.shape_cast %add3A_258 : vector<16xf32> to vector<1x16xf32>
        tpu.vector_store %arg12[%swap3A_259, %swap3A_260], %swap3A_263 {strides = array<i32>} : memref<128x64xf32, #tpu.memory_space<vmem>>, vector<1x16xf32>,
        %get3A_264 = arith.index_cast %scan3A_218 : i32 to index
        %get3A_265 = arith.constant 48 : index
        %get3A_266 = tpu.vector_load %arg10[%get3A_264, %get3A_265] {strides = array<i32>} : memref<128x128xf32, #tpu.memory_space<vmem>>, vector<1x16xf32>,
        %get3A_267 = vector.shape_cast %get3A_266 : vector<1x16xf32> to vector<16xf32>
        %add3A_268 = arith.addi %rem3A_203, %scan3A_218 : i32
        %get3A_269 = arith.index_cast %add3A_268 : i32 to index
        %get3A_270 = arith.constant 48 : index
        %get3A_271 = tpu.vector_load %arg13[%get3A_269, %get3A_270] {strides = array<i32>} : memref<328x64xf32, #tpu.memory_space<vmem>>, vector<1x16xf32>,
        %get3A_272 = vector.shape_cast %get3A_271 : vector<1x16xf32> to vector<16xf32>
        %add3A_273 = arith.addf %get3A_267, %get3A_272 : vector<16xf32>
        %swap3A_274 = arith.index_cast %scan3A_218 : i32 to index
        %swap3A_275 = arith.constant 48 : index
        %swap3A_276 = tpu.vector_load %arg12[%swap3A_274, %swap3A_275] {strides = array<i32>} : memref<128x64xf32, #tpu.memory_space<vmem>>, vector<1x16xf32>,
        %swap3A_277 = vector.shape_cast %swap3A_276 : vector<1x16xf32> to vector<16xf32>
        %swap3A_278 = vector.shape_cast %add3A_273 : vector<16xf32> to vector<1x16xf32>
        tpu.vector_store %arg12[%swap3A_274, %swap3A_275], %swap3A_278 {strides = array<i32>} : memref<128x64xf32, #tpu.memory_space<vmem>>, vector<1x16xf32>,
      }
      %scan3A_208 = arith.constant 128 : i32
      %add3A_209 = arith.constant 1 : i32
      %add3A_210 = arith.addi %mul3A_82, %add3A_209 : i32
      %mul3A_211 = arith.constant 128 : i32
      %mul3A_212 = arith.muli %add3A_210, %mul3A_211 : i32
      %add3A_213 = arith.addi %mul3A_4, %mul3A_212 : i32
      %dma_start3A_214 = arith.constant 0 : i32
      %dma_start3A_215 = tpu.memref_slice %arg5[%add3A_213, %dma_start3A_214] : memref<819200x64xf32, #tpu.memory_space<hbm>> -> memref<128x64xf32, #tpu.memory_space<hbm>>
      %dma_start3A_216 = arith.constant 0 : i32
      %dma_start3A_217 = tpu.memref_slice %arg5[%add3A_213, %dma_start3A_216] : memref<819200x64xf32, #tpu.memory_space<hbm>> -> memref<128x64xf32, #tpu.memory_space<hbm>>
      tpu.enqueue_dma source(%arg12 : memref<128x64xf32, #tpu.memory_space<vmem>>) target(%dma_start3A_217 : memref<128x64xf32, #tpu.memory_space<hbm>>) target_semaphore(%arg17 : memref<!tpu.dma_semaphore, #tpu.memory_space<semaphore_mem>>)
    }
    %scan3A_74 = arith.constant 100 : i32
    %add3A_75 = arith.constant 25472 : i32
    %add3A_76 = arith.addi %mul3A_4, %add3A_75 : i32
    %dma_wait3A = arith.constant 0 : i32
    %dma_wait3A_77 = tpu.memref_slice %arg5[%add3A_76, %dma_wait3A] : memref<819200x64xf32, #tpu.memory_space<hbm>> -> memref<128x64xf32, #tpu.memory_space<hbm>>
    %dma_wait3A_78 = arith.constant 0 : i32
    %dma_wait3A_79 = tpu.memref_slice %arg5[%add3A_76, %dma_wait3A_78] : memref<819200x64xf32, #tpu.memory_space<hbm>> -> memref<128x64xf32, #tpu.memory_space<hbm>>
    tpu.wait_dma2 semaphore(%arg17 : memref<!tpu.dma_semaphore, #tpu.memory_space<semaphore_mem>>) src(%arg12 : memref<128x64xf32, #tpu.memory_space<vmem>>) dst(%dma_wait3A_79 : memref<128x64xf32, #tpu.memory_space<hbm>>)
    return
  }
}

module attributes {stable_mosaic.version = 14 : i64} {
  func.func @tk(%arg0: i32, %arg1: memref<64x2048xf32, #tpu.memory_space<vmem>>, %arg2: memref<2048x128xf32, #tpu.memory_space<vmem>>) attributes {dimension_semantics = [#tpu.dimension_semantics<arbitrary>], iteration_bounds = array<i64: 489>, scalar_prefetch = 0 : i64, scratch_operands = 0 : i64, tpu.core_type = #tpu.core_type<tc>, window_params = [{transform_indices = @transform_0, window_bounds = array<i64: 64, 2048>}, {transform_indices = @transform_1, window_bounds = array<i64: 2048, 128>}]} {
    %get3A = arith.constant 0 : index
    %get3A_0 = arith.constant 0 : index
    %get3A_1 = vector.load %arg1[%get3A, %get3A_0] : memref<64x2048xf32, #tpu.memory_space<vmem>>, vector<64x2048xf32>
    %transpose3A = tpu.transpose %get3A_1, [1, 0] : vector<64x2048xf32> -> vector<2048x64xf32>
    %swap3A = arith.constant 0 : index
    %swap3A_2 = arith.constant 0 : index
    %swap3A_3 = vector.load %arg2[%swap3A, %swap3A_2] : memref<2048x128xf32, #tpu.memory_space<vmem>>, vector<2048x64xf32>
    tpu.vector_store %arg2[%swap3A, %swap3A_2], %transpose3A {strides = array<i32>} : memref<2048x128xf32, #tpu.memory_space<vmem>>, vector<2048x64xf32>,
    %broadcast_in_dim3A = arith.constant 0.000000e+00 : f32
    %broadcast_in_dim3A_4 = vector.broadcast %broadcast_in_dim3A : f32 to vector<2048x64xf32>
    %swap3A_5 = arith.constant 0 : index
    %swap3A_6 = arith.constant 64 : index
    %swap3A_7 = vector.load %arg2[%swap3A_5, %swap3A_6] : memref<2048x128xf32, #tpu.memory_space<vmem>>, vector<2048x64xf32>
    tpu.vector_store %arg2[%swap3A_5, %swap3A_6], %broadcast_in_dim3A_4 {strides = array<i32>} : memref<2048x128xf32, #tpu.memory_space<vmem>>, vector<2048x64xf32>,
    return
  }
  func.func @transform_0(%arg0: i32) -> (i32, i32) {
    %c0_i32 = arith.constant 0 : i32
    %c0_i32_0 = arith.constant 0 : i32
    return %c0_i32, %arg0 : i32, i32
  }
  func.func @transform_1(%arg0: i32) -> (i32, i32) {
    %c0_i32 = arith.constant 0 : i32
    %c0_i32_0 = arith.constant 0 : i32
    return %arg0, %c0_i32 : i32, i32
  }
}

</mosaic_0001>

<sc_bundles>
// kernel: kernel.4.cloned.1.call-start
scs
__scs_entry_jumppad:
0x0: {  	(pc) =	sbr.rel $0x88, $3  }
0x1: {  	(tag) =	ssettag $0x0;
	lr =	simm.s32 $0x1  }
0x2: {  	[smem:$0x3F9E] =	sst lr;
	_ =	strace $0xD0000000  }
0x3: {  	_ = 	snop  }
0x4: {  	_ = 	snop  }
0x5: {  	_ = 	snop  }
0x6: {  	_ = 	snop  }
0x7: {  	_ = 	snop  }
__scs_overlays_trampoline_lowered:
0x8: {  	[smem:$0x3FAD] =	sst s0  }
0x9: {  	[smem:$0x3FAE] =	sst s1  }
0xa: {  	[smem:$0x3FAF] =	sst s2  }
0xb: {  	[smem:$0x3FB0] =	sst s3  }
0xc: {  	[smem:$0x3FB1] =	sst s4  }
0xd: {  	[smem:$0x3FB2] =	sst s5  }
0xe: {  	[smem:$0x3FB3] =	sst s6  }
0xf: {  	[smem:$0x3FB4] =	sst s7  }
0x10: {  	[smem:$0x3FB5] =	sst s8  }
0x11: {  	[smem:$0x3FB6] =	sst s9;
	s0 =	simm.s32 @!p0 $0x0  }
0x12: {  	s1 =	sld [smem:$0x3F9C];
	s0 =	simm.s32 @p0 $0x1  }
0x13: {  	[smem:$0x3FB7] =	sst s0;
	s0 =	simm.s32 @!p1 $0x0  }
0x14: {  	s2 =	sld [smem:$0x3F9B];
	s0 =	simm.s32 @p1 $0x1  }
0x15: {  	[smem:$0x3FB8] =	sst s0;
	s0 =	simm.s32 @!p2 $0x0  }
0x16: {  	s3 =	sld [smem:$0x3FDB];
	s0 =	simm.s32 @p2 $0x1  }
0x17: {  	s4 =	simm.s32 $0x1BF5;
	[smem:$0x3FBA] =	sst s0  }
0x18: {  	s0 =	sld [smem:$0x3F9D];
	_ =	swait.ge [sflag:s4], $0x0  }
0x19: {  	s7 =	sld [smem:$0x3F9E]  }
0x1a: {  	s8 =	sadd.s32 $0xFFFFE003, lr  }
0x1b: {  	s9 =	sadd.s32 $0xFFFFFEF7, lr;
	s5 =	simm.s32 $0xFFFFFFFF;
	p2 =	slt.u32 s8, $0xFFFFF086  }
0x1c: {  	p1 =	slt.u32 s9, $0xF7A;
	s5 =	simm.s32 @!p2 $0x0  }
0x1d: {  	s5 =	simm.s32 @p1 $0x1;
	p0 =	seq.s32 s7, s2  }
0x1e: {  	s7 =	smul.u32 @!p0 $0xF7A, s2;
	p2 =	seq.s32 @!p0 s5, $0x0  }
0x1f: {  	s9 =	smul.u32 $0xF7A, s1;
	s8 =	simm.s32 @!p0 $0x1BF5;
	p2 =	por !p2, p0  }
0x20: {  	[sflag:s8] =	ssyncset.s32 @!p0 $0xFFFFF086;
	s6 =	sadd.s32 @!p0 s3, s7;
	s7 =	simm.s32 @!p0 $0x108  }
0x21: {  	s3 =	sadd.s32 s3, s9;
	s6 =	sadd.s32 @!p0 $0x88, s6;
	s7 =	simm.s32 @p2 $0x1082  }
0x22: {  	[simem:s7], [sflag:s8] =	dma.local @!p0 [hbm:s6], $0xF7A  }
0x23: {  	s9 =	sor.u32 $0xD0000000, s2;
	s6 =	simm.s32 $0x108;
	_ =	swait.ge @!p0 [sflag:s8], $0x0  }
0x24: {  	s3 =	sadd.s32 $0x88, s3;
	s6 =	simm.s32 @!p1 $0x1082;
	[sflag:s4] =	ssyncset.s32 $0xFFFFF086  }
0x25: {  	[simem:s6], [sflag:s4] =	dma.local [hbm:s3], $0xF7A  }
0x26: {  	[smem:$0x3F9E] =	sst s1;
	(tag) =	ssettag s2;
	_ =	strace s9  }
0x27: {  	s1 =	sld [smem:$0x3FAE]  }
0x28: {  	s2 =	sld [smem:$0x3FAF]  }
0x29: {  	s4 =	sld [smem:$0x3FB1]  }
0x2a: {  	p0 =	seq.s32 s5, $0x0;
	s5 =	sld [smem:$0x3FB2]  }
0x2b: {  	s6 =	sld [smem:$0x3FB3]  }
0x2c: {  	s7 =	sld [smem:$0x3FB4]  }
0x2d: {  	s3 =	simm.s32 $0x108;
	s8 =	sld [smem:$0x3FB5]  }
0x2e: {  	s3 =	simm.s32 @!p0 $0x1082;
	s9 =	sld [smem:$0x3FB6]  }
0x2f: {  	lr =	sadd.s32 s0, s3;
	s0 =	sld [smem:$0x3FAD]  }
0x30: {  	s3 =	sld [smem:$0x3FB0]  }
0x31: {  	[smem:$0x3FB9] =	sst s10  }
0x32: {  	s10 =	sld [smem:$0x3FB7];
	_ =	sdelay $0x3  }
0x33: {  	p0 =	seq.s32 s10, $0x1;
	s10 =	sld [smem:$0x3FB9];
	_ =	sdelay $0x3  }
0x34: {  	[smem:$0x3FB9] =	sst s10  }
0x35: {  	s10 =	sld [smem:$0x3FB8];
	_ =	sdelay $0x3  }
0x36: {  	p1 =	seq.s32 s10, $0x1;
	s10 =	sld [smem:$0x3FB9];
	_ =	sdelay $0x3  }
0x37: {  	[smem:$0x3FB9] =	sst s10  }
0x38: {  	s10 =	sld [smem:$0x3FBA]  }
0x39: {  	_ = 	snop;
	(pc) =	sbr.ind lr, $3  }
0x3a: {  	_ = 	snop  }
0x3b: {  	_ = 	snop  }
0x3c: {  	p2 =	seq.s32 s10, $0x1;
	s10 =	sld [smem:$0x3FB9]  }
0x3d: {  	_ =	shalt  }
0x3e: {  	_ =	shalt  }
0x3f: {  	_ =	shalt  }
0x40: {  	_ =	shalt  }
0x41: {  	_ =	shalt  }
0x42: {  	_ =	shalt  }
0x43: {  	_ =	shalt  }
0x44: {  	_ =	shalt  }
0x45: {  	_ =	shalt  }
0x46: {  	_ =	shalt  }
0x47: {  	_ =	shalt  }
0x48: {  	_ =	shalt  }
0x49: {  	_ =	shalt  }
0x4a: {  	_ =	shalt  }
0x4b: {  	_ =	shalt  }
0x4c: {  	_ =	shalt  }
0x4d: {  	_ =	shalt  }
0x4e: {  	_ =	shalt  }
0x4f: {  	_ =	shalt  }
0x50: {  	_ =	shalt  }
0x51: {  	_ =	shalt  }
0x52: {  	_ =	shalt  }
0x53: {  	_ =	shalt  }
0x54: {  	_ =	shalt  }
0x55: {  	_ =	shalt  }
0x56: {  	_ =	shalt  }
0x57: {  	_ =	shalt  }
0x58: {  	_ =	shalt  }
0x59: {  	_ =	shalt  }
0x5a: {  	_ =	shalt  }
0x5b: {  	_ =	shalt  }
0x5c: {  	_ =	shalt  }
0x5d: {  	_ =	shalt  }
0x5e: {  	_ =	shalt  }
0x5f: {  	_ =	shalt  }
0x60: {  	_ =	shalt  }
0x61: {  	_ =	shalt  }
0x62: {  	_ =	shalt  }
0x63: {  	_ =	shalt  }
0x64: {  	_ =	shalt  }
0x65: {  	_ =	shalt  }
0x66: {  	_ =	shalt  }
0x67: {  	_ =	shalt  }
0x68: {  	_ =	shalt  }
0x69: {  	_ =	shalt  }
0x6a: {  	_ =	shalt  }
0x6b: {  	_ =	shalt  }
0x6c: {  	_ =	shalt  }
0x6d: {  	_ =	shalt  }
0x6e: {  	_ =	shalt  }
0x6f: {  	_ =	shalt  }
0x70: {  	_ =	shalt  }
0x71: {  	_ =	shalt  }
0x72: {  	_ =	shalt  }
0x73: {  	_ =	shalt  }
0x74: {  	_ =	shalt  }
0x75: {  	_ =	shalt  }
0x76: {  	_ =	shalt  }
0x77: {  	_ =	shalt  }
0x78: {  	_ =	shalt  }
0x79: {  	_ =	shalt  }
0x7a: {  	_ =	shalt  }
0x7b: {  	_ =	shalt  }
0x7c: {  	_ =	shalt  }
0x7d: {  	_ =	shalt  }
0x7e: {  	_ =	shalt  }
0x7f: {  	_ =	shalt  }
0x80: {  	_ =	shalt  }
0x81: {  	_ =	shalt  }
0x82: {  	_ =	shalt  }
0x83: {  	_ =	shalt  }
0x84: {  	_ =	shalt  }
0x85: {  	_ =	shalt  }
0x86: {  	_ =	shalt  }
0x87: {  	_ =	shalt  }
.Lfunc_end0:
.L_simem_size_0:
called_computation.1_lowered:
.L_overlay_start_0:
0x88: {  	s2 =	sld [smem:$0x3FD9]  }
0x89: {  	s3 =	sld [smem:$0x3FFE];
	_ =	sdelay $0x1  }
0x8a: {  	s1 =	srdreg.scid  }
0x8b: {  	s0 =	sand.u32 $0x1, s1  }
0x8c: {  	s17 =	sshll.u32 s0, $0xA;
	s2 =	sadd.s32 s3, s2  }
0x8d: {  	s2 =	sadd.s32 s2, s17  }
0x8e: {  	[smem:$0x3FC5] =	sst s2  }
0x8f: {  	_ = 	snop  }
0x90: {  	s2 =	sld [smem:$0x3FD0];
	(tm) =	ssettm $0x1  }
0x91: {  	s18 =	sld [smem:$0x3FFB];
	_ =	sdelay $0x3  }
0x92: {  	_ =	strace s18  }
0x93: {  	s3 =	sld [smem:$0x3FFC];
	_ =	sdelay $0x3  }
0x94: {  	_ =	strace s3  }
0x95: {  	s3 =	sld [smem:$0x3FFD];
	_ =	sdelay $0x3  }
0x96: {  	_ =	strace s3  }
0x97: {  	_ =	strace $0x8FFFFFFF  }
0x98: {  	s19 =	sld [smem:$0x3FDB];
	_ =	sdelay $0x1  }
0x99: {  	s4 =	simm.s32 $_scs_section_size  }
0x9a: {  	s5 =	simm.s32 $_size__tile_overlayer_lowered;
	s6 =	simm.s32 $_tile_overlayer_lowered  }
0x9b: {  	s22 =	simm.s32 $0x1BFF;
	s21 =	sshll.u32 s6, $0x1;
	s3 =	sadd.s32 s4, s19  }
0x9c: {  	s7 =	simm.s32 $0x0;
	s20 =	sshll.u32 s5, $0x1;
	s5 =	sadd.s32 s21, s3  }
0x9d: {  	[timem:s7], [sflag:s22] =	dma.local [hbm:s5], s20  }
0x9e: {  	_ =	swait.ge [sflag:s22], s20  }
0x9f: {  	s4 =	ssub.s32 $0x0, s20;
	[sflag:s22] =	ssyncset.done $0x0  }
0xa0: {  	[sflag:s22] =	ssyncadd.s32 s4;
	_ =	sdelay $0x1  }
0xa1: {  	s23 =	simm.s32 $0x1B8B  }
0xa2: {  	_ =	swait.ge [sflag:s23], $0x1  }
0xa3: {  	[sflag:s23] =	ssyncset.done $0x0  }
0xa4: {  	s25 =	simm.s32 $0x1B8E;
	s24 =	sld [smem:$0x3FFE];
	[sflag:s23] =	ssyncadd.s32 $0xFFFFFFFF  }
0xa5: {  	s26 =	simm.s32 $execute0_lowered;
	[smem:$0x3FD2] =	sst s25  }
0xa6: {  	s5 =	sshll.u32 s26, $0x1;
	_ =	strace $0x80000046;
	[dreg:$0x1] =	wrdreg $0xFFFFFFFF  }
0xa7: {  	s28 =	simm.s32 $_size_execute0_lowered;
	s3 =	sadd.s32 s3, s5;
	[dreg:$0x0] =	wrdreg $0x0  }
0xa8: {  	s5 =	sshll.u32 s28, $0x1;
	[dreg:$0x2] =	wrdreg s3  }
0xa9: {  	[dreg:$0x3] =	wrdreg s5  }
0xaa: {  	[dreg:$0x4] =	wrdreg $0xC0  }
0xab: {  	_ =	task [dreg:s7], $0x5FFFF  }
0xac: {  	[dreg:$0x1] =	wrdreg $0xFFFFFFFF  }
0xad: {  	[dreg:$0x0] =	wrdreg $0x60  }
0xae: {  	[dreg:$0x2] =	wrdreg s2  }
0xaf: {  	[dreg:$0x3] =	wrdreg s24  }
0xb0: {  	[dreg:$0x4] =	wrdreg $0x9  }
0xb1: {  	_ =	task.clear_ibuf [dreg:s7], $0x5FFFF;
	_ =	strace $0x90000046  }
0xb2: {  	s29 =	simm.s32 $0x9;
	_ =	strace $0x80000048  }
0xb3: {  	_ =	swait.ge [sflag:s29], $0x1  }
0xb4: {  	[sflag:s29] =	ssyncadd.s32 $0xFFFFFFFF  }
0xb5: {  	_ =	strace $0x90000048  }
0xb6: {  	_ =	sfence  }
0xb7: {  	s30 =	sld [smem:$0x0];
	_ =	sdelay $0x2  }
0xb8: {  	s31 =	sshll.u32 s1, $0xD;
	s1 =	sshrl.u32 s1, $0x2  }
0xb9: {  	s3 =	sand.u32 $0x4000, s31;
	s1 =	sadd.s32 s1, s30  }
0xba: {  	s0 =	sor.u32 s3, s0;
	s1 =	sshll.u32 s1, $0x11  }
0xbb: {  	s0 =	sor.u32 s1, s0  }
0xbc: {  	s0 =	sadd.s32 $0x8F2B, s0  }
0xbd: {  	[sflag:s0] =	ssyncadd.remote.s32 $0x1  }
0xbe: {  	_ =	sfence.sel $0xFFFF  }
0xbf: {  	[dreg:$0x0] =	wrdreg $0xFFFFFFFF;
	(pc) =	sbr.abs _section_cstart, $3  }
0xc0: {  	[dreg:$0x1] =	wrdreg $0xFFFFFFFF  }
0xc1: {  	_ =	task.clear_ibuf [dreg:s7], $0x2FFFF;
	_ =	strace $0x9FFFFFFF  }
0xc2: {  	(tm) =	ssettm $0x7FFFFFFF  }
0xc3: {  	_ =	shalt  }
tec
execute0_lowered:
.L_overlay_start_1:
0x0: {  	(tag) =	ssettag $0x1  }
0x1: {  	s0 =	rddreg [dreg:$0x0]  }
0x2: {  	s1 =	srdreg.scid;
	s2 =	stileid.u32  }
0x3: {  	s6 =	rddreg [dreg:$0x1];
	s10 =	simm.s32 $0x5;
	s12 =	simm.s32 $0x3400  }
0x4: {  	s13 =	simm.s32 $0x3500;
	s14 =	simm.s32 $0x80;
	s15 =	simm.s32 $0x3480  }
0x5: {  	s16 =	simm.s32 $0x7500;
	s17 =	simm.s32 $0x1;
	s18 =	simm.s32 $0xB500  }
0x6: {  	s19 =	simm.s32 $0x3;
	s20 =	simm.s32 $0x2;
	s21 =	simm.s32 $0xF500  }
0x7: {  	s22 =	simm.s32 $0x4;
	s1 =	sand.u32 $0x1, s1;
	s3 =	sshll.u32 s2, $0x1  }
0x8: {  	s23 =	simm.s32 $0x0;
	s2 =	simm.s32 $0x0;
	s7 =	sor.u32 s1, s3  }
0x9: {  	s4 =	sadd.s32 $0x1800, s6;
	s5 =	sadd.s32 $0x800, s6;
	s3 =	smul.u32 $0x6400, s7  }
0xa: {  	s6 =	sadd.s32 $0xF43C00, s6;
	[smem:$0x7FF] =	sst s2;
	s1 =	ssub.s32 $0x2, s1  }
0xb: {  	s7 =	smul.u32 $0xC80, s7;
	s9 =	sshrl.u32 s1, $0x1;
	s8 =	sshrl.u32 s3, $0x3  }
0xc: {  	_ =	strace $0x80000047;
	s1 =	ssub.s32 s1, s9;
	s8 =	sadd.s32 s0, s8  }
0xd: {  	s7 =	sadd.s32 s0, s7;
	s9 =	smax.u32 s1, $0x1;
	s8 =	sadd.s32 $0x680, s8  }
.LBB2_1:
0xe: {  	[tilespmem:s2], [sflag:$0x5] =	stream.linear.gather [hbm4b:s7+s2], $0x3400, $0x38;
	[tilespmem:$0x1D900] =	vst v63  }
0xf: {  	_ =	swait.ge [sflag:s10], $0x3400  }
0x10: {  	[sflag:s10] =	ssyncset.done $0x0  }
0x11: {  	s24 =	simm.s32 $0x13500;
	[sflag:s10] =	ssyncadd.s32 $0xFFFFCC00  }
0x12: {  	[tilespmem:s24], [sflag:$0x5] =	stream.linear.gather [hbm4b:s5+s2], $0x6400, $0x38;
	[tilespmem:$0x1D900] =	vst v63  }
0x13: {  	_ =	swait.ge [sflag:s10], $0x6400  }
0x14: {  	[sflag:s10] =	ssyncset.done $0x0  }
0x15: {  	s0 =	simm.s32 $0x19900;
	[sflag:s10] =	ssyncadd.s32 $0xFFFF9C00  }
0x16: {  	[tilespmem:s0], [sflag:$0x5] =	stream.linear.gather [hbm4b:s5+s2], $0x4000, $0x38;
	[tilespmem:$0x1D900] =	vst v63  }
0x17: {  	_ =	swait.ge [sflag:s10], $0x4000  }
0x18: {  	[sflag:s10] =	ssyncset.done $0x0  }
0x19: {  	[sflag:s10] =	ssyncadd.s32 $0xFFFFC000  }
0x1a: {  	v0 =	vld [tilespmem:$0x0]  }
0x1b: {  	v1 =	vld [tilespmem:$0x10]  }
0x1c: {  	v2 =	vld [tilespmem:$0x20]  }
0x1d: {  	v3 =	vld [tilespmem:$0x30]  }
0x1e: {  	v4 =	vld [tilespmem:$0x40]  }
0x1f: {  	v61 =	vld [tilespmem:$0x50];
	[tilespmem:$0x3400] =	vst v0  }
0x20: {  	v62 =	vld [tilespmem:$0x60];
	[tilespmem:$0x3410] =	vst v1  }
0x21: {  	v63 =	vld [tilespmem:$0x70];
	[tilespmem:$0x3420] =	vst v2  }
0x22: {  	[tilespmem:$0x3430] =	vst v3  }
0x23: {  	[tilespmem:$0x3440] =	vst v4  }
0x24: {  	[tilespmem:$0x3450] =	vst v61  }
0x25: {  	[tilespmem:$0x3460] =	vst v62  }
0x26: {  	s25 =	simm.s32 $0x80;
	s26 =	simm.s32 $0x0;
	s28 =	simm.s32 $0x0;
	[tilespmem:$0x3470] =	vst v63  }
0x27: {  	[tilespmem:s13], [sflag:$0x1] =	stream.indirect.gather [hbm4b:s4+s14], $0x80, s12, s14, $0xb8;
	[tilespmem:$0x1D900] =	vst v63  }
.LBB2_2:
0x28: {  	p0 =	seq.s32 s28, $0x0;
	s30 =	sshll.u32 s28, $0x1;
	p1 =	slt.u32 s28, $0x34  }
0x29: {  	s0 =	simm.s32 @!p0 $0x4;
	s29 =	sor.u32 $0x1, s30;
	s1 =	sadd.s32 $0x7FFF99, s30  }
0x2a: {  	s1 =	smov.u32 @p1 s29;
	_ =	swait.ge @!p0 [sflag:s0], $0x4000  }
0x2b: {  	[sflag:s0] =	ssyncset.done @!p0 $0x0;
	s1 =	sshll.u32 s1, $0x9  }
0x2c: {  	[sflag:s0] =	ssyncadd.s32 @!p0 $0xFFFFC000;
	s11 =	sshra.s32 s1, $0x2  }
0x2d: {  	v0 =	vld [tilespmem:s11+$0x0];
	_ =	sdelay $0x4  }
0x2e: {  	[tilespmem:$0x3480] =	vst v0  }
0x2f: {  	v0 =	vld [tilespmem:s11+$0x10];
	_ =	sdelay $0x4  }
0x30: {  	[tilespmem:$0x3490] =	vst v0  }
0x31: {  	v0 =	vld [tilespmem:s11+$0x20];
	_ =	sdelay $0x4  }
0x32: {  	[tilespmem:$0x34A0] =	vst v0  }
0x33: {  	v0 =	vld [tilespmem:s11+$0x30];
	_ =	sdelay $0x4  }
0x34: {  	[tilespmem:$0x34B0] =	vst v0  }
0x35: {  	v0 =	vld [tilespmem:s11+$0x40];
	_ =	sdelay $0x4  }
0x36: {  	[tilespmem:$0x34C0] =	vst v0  }
0x37: {  	v0 =	vld [tilespmem:s11+$0x50];
	_ =	sdelay $0x4  }
0x38: {  	[tilespmem:$0x34D0] =	vst v0  }
0x39: {  	v0 =	vld [tilespmem:s11+$0x60];
	_ =	sdelay $0x4  }
0x3a: {  	s1 =	smulhi.u32 $0x51EB851F, s25;
	[tilespmem:$0x34E0] =	vst v0  }
0x3b: {  	v0 =	vld [tilespmem:s11+$0x70];
	s11 =	smulhi.u32 $0x51EB851F, s26;
	_ =	sdelay $0x1  }
0x3c: {  	s0 =	sshrl.u32 s1, $0x6;
	s1 =	sshrl.u32 s11, $0x6  }
0x3d: {  	s1 =	smul.u32 $0xFFFE7000, s1;
	_ =	sdelay $0x1  }
0x3e: {  	s1 =	sshra.s32 s1, $0x2  }
0x3f: {  	s11 =	sadd.s32 s1, s24  }
0x40: {  	s0 =	smul.u32 $0xFFFE7000, s0;
	[tilespmem:$0x34F0] =	vst v0;
	v0 =	vmov s11  }
0x41: {  	[tilespmem:s16], [sflag:$0x2] =	stream.indirect.gather [hbm4b:s4+s14], $0x80, s15, s14, $0xb8;
	[tilespmem:$0x1D900] =	vst v63  }
0x42: {  	s0 =	sshra.s32 s0, $0x2;
	_ =	swait.ge [sflag:s17], $0x4000  }
0x43: {  	s31 =	sadd.s32 s0, s24;
	s0 =	simm.s32 $0x0;
	[sflag:s17] =	ssyncset.done $0x0  }
0x44: {  	s1 =	sshll.u32 s28, $0x8;
	s11 =	simm.s32 $0x200;
	[sflag:s17] =	ssyncadd.s32 $0xFFFFC000  }
.LBB2_3:
0x45: {  	p0 =	sne.s32 s11, $0xFE00;
	v1 =	vld.idx.msk [tilespmem:v0+s0+$0x0 ss:$0x1], $0xffff  }
0x46: {  	v2 =	vld [tilespmem:s0+$0x3500];
	_ =	sdelay $0x4  }
0x47: {  	v1 =	vadd.f32 v1, v2;
	_ =	sdelay $0x1  }
0x48: {  	[tilespmem:s0+$0xB500] =	vst v1  }
0x49: {  	v1 =	vld.idx.msk [tilespmem:v0+s0+$0x10 ss:$0x1], $0xffff  }
0x4a: {  	v2 =	vld [tilespmem:s0+$0x3510];
	_ =	sdelay $0x4  }
0x4b: {  	v1 =	vadd.f32 v1, v2;
	_ =	sdelay $0x1  }
0x4c: {  	[tilespmem:s0+$0xB510] =	vst v1  }
0x4d: {  	v1 =	vld.idx.msk [tilespmem:v0+s0+$0x20 ss:$0x1], $0xffff  }
0x4e: {  	v2 =	vld [tilespmem:s0+$0x3520];
	_ =	sdelay $0x4  }
0x4f: {  	v1 =	vadd.f32 v1, v2;
	_ =	sdelay $0x1  }
0x50: {  	[tilespmem:s0+$0xB520] =	vst v1  }
0x51: {  	v1 =	vld.idx.msk [tilespmem:v0+s0+$0x30 ss:$0x1], $0xffff  }
0x52: {  	v2 =	vld [tilespmem:s0+$0x3530];
	_ =	sdelay $0x2  }
.Ltmp0:
0x53: {  	(pc) =	sbr.rel @p0 .LBB2_3-.Ltmp0, $3  }
0x54: {  	_ = 	snop  }
0x55: {  	v1 =	vadd.f32 v1, v2;
	_ =	sdelay $0x1  }
0x56: {  	[tilespmem:s0+$0xB530] =	vst v1;
	s0 =	sshra.s32 s11, $0x2;
	s11 =	sadd.s32 $0x200, s11  }
0x57: {  	_ =	sdelay $0x3  }
0x58: {  	v1 =	vld.idx.msk [tilespmem:v0+s0+$0x0 ss:$0x1], $0xffff  }
0x59: {  	v2 =	vld [tilespmem:s0+$0x3500];
	_ =	sdelay $0x4  }
0x5a: {  	v1 =	vadd.f32 v1, v2;
	_ =	sdelay $0x1  }
0x5b: {  	v2 =	vld [tilespmem:s0+$0x3510];
	[tilespmem:s0+$0xB500] =	vst v1  }
0x5c: {  	v1 =	vld.idx.msk [tilespmem:v0+s0+$0x10 ss:$0x1], $0xffff;
	_ =	sdelay $0x4  }
0x5d: {  	v1 =	vadd.f32 v1, v2;
	_ =	sdelay $0x1  }
0x5e: {  	v2 =	vld [tilespmem:s0+$0x3520];
	[tilespmem:s0+$0xB510] =	vst v1  }
0x5f: {  	v1 =	vld.idx.msk [tilespmem:v0+s0+$0x20 ss:$0x1], $0xffff;
	_ =	sdelay $0x4  }
0x60: {  	v1 =	vadd.f32 v1, v2;
	_ =	sdelay $0x1  }
0x61: {  	[tilespmem:s0+$0xB520] =	vst v1;
	v1 =	vld [tilespmem:s0+$0x3530]  }
0x62: {  	v0 =	vld.idx.msk [tilespmem:v0+s0+$0x30 ss:$0x1], $0xffff;
	_ =	sdelay $0x4  }
0x63: {  	s1 =	sadd.s32 s3, s1;
	v0 =	vadd.f32 v0, v1  }
0x64: {  	s1 =	sshll.u32 s1, $0x4  }
0x65: {  	s11 =	sadd.s32 s6, s1;
	[tilespmem:s0+$0xB530] =	vst v0  }
0x66: {  	[hbm4b:s11+s2] =	stream.linear.scatter [tilespmem:s18], [sflag:$0x3], $0x4000, $0x38;
	[tilespmem:$0x1D900] =	vst v63  }
0x67: {  	s0 =	sadd.s32 $0x2, s30;
	_ =	swait.ge [sflag:s19], $0x4000  }
0x68: {  	p0 =	seq.s32 s28, $0x63;
	p1 =	sne.s32 s0, $0x68;
	[sflag:s19] =	ssyncset.done $0x0  }
0x69: {  	p2 =	slt.u32 @!p0 s28, $0x33;
	s1 =	simm.s32 @!p1 $0x0;
	[sflag:s19] =	ssyncadd.s32 $0xFFFFC000  }
0x6a: {  	[tilespmem:s1], [sflag:$0x5] =	stream.linear.gather @!p1 [hbm4b:s8+s1], $0x3000, $0x38;
	[tilespmem:$0x1D900] =	vst v63  }
0x6b: {  	p2 =	por !p2, p0;
	s11 =	sadd.s32 @!p0 $0x7FFF9A, s30;
	s1 =	simm.s32 @!p1 $0x5  }
0x6c: {  	s0 =	smov.u32 @p2 s11;
	_ =	swait.ge @!p1 [sflag:s1], $0x3000  }
0x6d: {  	s0 =	sshll.u32 @!p0 s0, $0x9;
	[sflag:s1] =	ssyncset.done @!p1 $0x0  }
0x6e: {  	s0 =	sshra.s32 @!p0 s0, $0x2;
	[sflag:s1] =	ssyncadd.s32 @!p1 $0xFFFFD000  }
0x6f: {  	v0 =	vld @!p0 [tilespmem:s0+$0x0];
	_ =	sdelay $0x4  }
0x70: {  	[tilespmem:$0x3400] =	vst @!p0 v0  }
0x71: {  	v0 =	vld @!p0 [tilespmem:s0+$0x10];
	_ =	sdelay $0x4  }
0x72: {  	[tilespmem:$0x3410] =	vst @!p0 v0  }
0x73: {  	v0 =	vld @!p0 [tilespmem:s0+$0x20];
	_ =	sdelay $0x4  }
0x74: {  	[tilespmem:$0x3420] =	vst @!p0 v0  }
0x75: {  	v0 =	vld @!p0 [tilespmem:s0+$0x30];
	_ =	sdelay $0x4  }
0x76: {  	[tilespmem:$0x3430] =	vst @!p0 v0  }
0x77: {  	v0 =	vld @!p0 [tilespmem:s0+$0x40];
	_ =	sdelay $0x4  }
0x78: {  	[tilespmem:$0x3440] =	vst @!p0 v0  }
0x79: {  	v0 =	vld @!p0 [tilespmem:s0+$0x50];
	_ =	sdelay $0x4  }
0x7a: {  	[tilespmem:$0x3450] =	vst @!p0 v0  }
0x7b: {  	v0 =	vld @!p0 [tilespmem:s0+$0x60];
	_ =	sdelay $0x4  }
0x7c: {  	[tilespmem:$0x3460] =	vst @!p0 v0  }
0x7d: {  	v0 =	vld @!p0 [tilespmem:s0+$0x70];
	_ =	sdelay $0x4  }
0x7e: {  	s11 =	simm.s32 @!p0 $0x3500;
	s1 =	simm.s32 @!p0 $0x3400;
	s0 =	simm.s32 @!p0 $0x80;
	[tilespmem:$0x3470] =	vst @!p0 v0;
	v0 =	vmov s31  }
0x7f: {  	[tilespmem:s11], [sflag:$0x1] =	stream.indirect.gather @!p0 [hbm4b:s4+s0], $0x80, s1, s0, $0xb8;
	[tilespmem:$0x1D900] =	vst v63  }
0x80: {  	_ =	swait.ge [sflag:s20], $0x4000  }
0x81: {  	s1 =	sshll.u32 s29, $0x7;
	[sflag:s20] =	ssyncset.done $0x0  }
0x82: {  	s0 =	simm.s32 $0x0;
	s11 =	simm.s32 $0x200;
	[sflag:s20] =	ssyncadd.s32 $0xFFFFC000  }
.LBB2_5:
0x83: {  	p0 =	sne.s32 s11, $0xFE00;
	v1 =	vld.idx.msk [tilespmem:v0+s0+$0x4000 ss:$0x1], $0xffff  }
0x84: {  	v2 =	vld [tilespmem:s0+$0x7500];
	_ =	sdelay $0x4  }
0x85: {  	v1 =	vadd.f32 v1, v2;
	_ =	sdelay $0x1  }
0x86: {  	[tilespmem:s0+$0xF500] =	vst v1  }
0x87: {  	v1 =	vld.idx.msk [tilespmem:v0+s0+$0x4010 ss:$0x1], $0xffff  }
0x88: {  	v2 =	vld [tilespmem:s0+$0x7510];
	_ =	sdelay $0x4  }
0x89: {  	v1 =	vadd.f32 v1, v2;
	_ =	sdelay $0x1  }
0x8a: {  	[tilespmem:s0+$0xF510] =	vst v1  }
0x8b: {  	v1 =	vld.idx.msk [tilespmem:v0+s0+$0x4020 ss:$0x1], $0xffff  }
0x8c: {  	v2 =	vld [tilespmem:s0+$0x7520];
	_ =	sdelay $0x4  }
0x8d: {  	v1 =	vadd.f32 v1, v2;
	_ =	sdelay $0x1  }
0x8e: {  	[tilespmem:s0+$0xF520] =	vst v1  }
0x8f: {  	v1 =	vld.idx.msk [tilespmem:v0+s0+$0x4030 ss:$0x1], $0xffff  }
0x90: {  	v2 =	vld [tilespmem:s0+$0x7530];
	_ =	sdelay $0x2  }
.Ltmp1:
0x91: {  	(pc) =	sbr.rel @p0 .LBB2_5-.Ltmp1, $3  }
0x92: {  	_ = 	snop  }
0x93: {  	v1 =	vadd.f32 v1, v2;
	_ =	sdelay $0x1  }
0x94: {  	[tilespmem:s0+$0xF530] =	vst v1;
	s0 =	sshra.s32 s11, $0x2;
	s11 =	sadd.s32 $0x200, s11  }
0x95: {  	_ =	sdelay $0x3  }
0x96: {  	v1 =	vld.idx.msk [tilespmem:v0+s0+$0x4000 ss:$0x1], $0xffff  }
0x97: {  	v2 =	vld [tilespmem:s0+$0x7500];
	_ =	sdelay $0x4  }
0x98: {  	v1 =	vadd.f32 v1, v2;
	_ =	sdelay $0x1  }
0x99: {  	v60 =	vld [tilespmem:s0+$0x7510];
	[tilespmem:s0+$0xF500] =	vst v1  }
0x9a: {  	v1 =	vld.idx.msk [tilespmem:v0+s0+$0x4010 ss:$0x1], $0xffff;
	_ =	sdelay $0x4  }
0x9b: {  	v1 =	vadd.f32 v1, v60;
	_ =	sdelay $0x1  }
0x9c: {  	v61 =	vld [tilespmem:s0+$0x7520];
	[tilespmem:s0+$0xF510] =	vst v1  }
0x9d: {  	v1 =	vld.idx.msk [tilespmem:v0+s0+$0x4020 ss:$0x1], $0xffff;
	_ =	sdelay $0x4  }
0x9e: {  	v1 =	vadd.f32 v1, v61;
	_ =	sdelay $0x1  }
0x9f: {  	v63 =	vld [tilespmem:s0+$0x7530];
	[tilespmem:s0+$0xF520] =	vst v1  }
0xa0: {  	v62 =	vld.idx.msk [tilespmem:v0+s0+$0x4030 ss:$0x1], $0xffff;
	_ =	sdelay $0x1  }
0xa1: {  	s28 =	sadd.s32 $0x1, s28  }
0xa2: {  	p0 =	sne.s32 s28, $0x64  }
.Ltmp2:
0xa3: {  	_ = 	snop;
	(pc) =	sbr.rel @p0 .LBB2_2-.Ltmp2, $4  }
0xa4: {  	s1 =	sadd.s32 s3, s1;
	v0 =	vadd.f32 v62, v63  }
0xa5: {  	s24 =	sadd.s32 $0x8000, s24;
	s1 =	sshll.u32 s1, $0x4  }
0xa6: {  	s26 =	sadd.s32 $0x100, s26;
	s25 =	sadd.s32 $0x100, s25;
	s31 =	sadd.s32 s6, s1;
	[tilespmem:s0+$0xF530] =	vst v0  }
0xa7: {  	[hbm4b:s31+s2] =	stream.linear.scatter [tilespmem:s21], [sflag:$0x4], $0x4000, $0x38;
	[tilespmem:$0x1D900] =	vst v63  }
0xa8: {  	s23 =	sadd.s32 $0x1, s23  }
0xa9: {  	p0 =	sne.s32 s23, s9  }
.Ltmp3:
0xaa: {  	_ = 	snop;
	(pc) =	sbr.rel @p0 .LBB2_1-.Ltmp3, $4  }
0xab: {  	_ = 	snop  }
0xac: {  	_ =	swait.ge [sflag:s22], $0x4000  }
0xad: {  	[sflag:s22] =	ssyncset.done $0x0  }
0xae: {  	[sflag:s22] =	ssyncadd.s32 $0xFFFFC000  }
0xaf: {  	_ =	sfence.sel $0x180000  }
0xb0: {  	[bflag:$0x0] =	sbarrier.arrive $0xFFFF  }
0xb1: {  	_ =	strace $0x90000047  }
0xb2: {  	s0 =	stileid.u32;
	[bflag:$0x2] =	sbarrier.arrive $0xFFFF  }
0xb3: {  	p0 =	sne.s32 s0, $0x0;
	s0 =	rddreg [dreg:$0x2]  }
0xb4: {  	s0 =	sadd.s32 @!p0 $0x100000, s0  }
0xb5: {  	[sflag:s0] =	ssyncadd.tile.s32 @!p0 $0x1;
	_ =	shalt  }
.Lfunc_end2:
_tile_overlayer_lowered:
.L_overlay_start_2:
0xb6: {  	(tag) =	ssettag $0x2  }
0xb7: {  	s0 =	rddreg [dreg:$0x0];
	s2 =	stileid.u32  }
0xb8: {  	s1 =	rddreg [dreg:$0x1];
	p0 =	sne.s32 s2, $0x0  }
0xb9: {  	s3 =	rddreg [dreg:$0x2];
	[bflag:$0x3] =	sbarrier.arrive $0xFFFF;
	s2 =	simm.s32 @!p0 $0x1C05  }
0xba: {  	[timem:s3], [sflag:s2] =	dma.local @!p0 [hbm:s0], s1  }
0xbb: {  	s0 =	simm.s32 @!p0 $0x5  }
0xbc: {  	_ =	swait.ge @!p0 [sflag:s0], s1  }
0xbd: {  	s1 =	ssub.s32 @!p0 $0x0, s1;
	[sflag:s0] =	ssyncset.done @!p0 $0x0  }
0xbe: {  	[sflag:s0] =	ssyncadd.s32 @!p0 s1  }
0xbf: {  	[bflag:$0x3] =	sbarrier.arrive $0xFFFF  }
0xc0: {  	_ =	shalt  }

// kernel: sparse-core-data-format-call.cloned.1.call-start
scs
called_computation_lowered:
.L_overlay_start_0:
0x0: {  	s2 =	sld [smem:$0x3FD9]  }
0x1: {  	s3 =	sld [smem:$0x3FFE];
	_ =	sdelay $0x1  }
0x2: {  	s1 =	srdreg.scid  }
0x3: {  	s0 =	sand.u32 $0x1, s1  }
0x4: {  	s18 =	sshll.u32 s0, $0xA;
	s2 =	sadd.s32 s3, s2  }
0x5: {  	s2 =	sadd.s32 s2, s18  }
0x6: {  	[smem:$0x3FC5] =	sst s2  }
0x7: {  	_ = 	snop  }
0x8: {  	s2 =	sld [smem:$0x3FD0];
	(tm) =	ssettm $0x1  }
0x9: {  	s19 =	sld [smem:$0x3FFB];
	_ =	sdelay $0x3  }
0xa: {  	_ =	strace s19  }
0xb: {  	s3 =	sld [smem:$0x3FFC];
	_ =	sdelay $0x3  }
0xc: {  	_ =	strace s3  }
0xd: {  	s3 =	sld [smem:$0x3FFD];
	_ =	sdelay $0x3  }
0xe: {  	_ =	strace s3  }
0xf: {  	_ =	strace $0x8FFFFFFF  }
0x10: {  	s20 =	sld [smem:$0x3FDB];
	_ =	sdelay $0x1  }
0x11: {  	s4 =	simm.s32 $_scs_section_size  }
0x12: {  	s5 =	simm.s32 $_size__tile_overlayer_lowered;
	s6 =	simm.s32 $_tile_overlayer_lowered  }
0x13: {  	s23 =	simm.s32 $0x1BFF;
	s22 =	sshll.u32 s6, $0x1;
	s3 =	sadd.s32 s4, s20  }
0x14: {  	s7 =	simm.s32 $0x0;
	s21 =	sshll.u32 s5, $0x1;
	s5 =	sadd.s32 s22, s3  }
0x15: {  	[timem:s7], [sflag:s23] =	dma.local [hbm:s5], s21  }
0x16: {  	_ =	swait.ge [sflag:s23], s21  }
0x17: {  	s4 =	ssub.s32 $0x0, s21;
	[sflag:s23] =	ssyncset.done $0x0  }
0x18: {  	[sflag:s23] =	ssyncadd.s32 s4;
	_ =	sdelay $0x1  }
0x19: {  	s24 =	simm.s32 $0x1B8B  }
0x1a: {  	_ =	swait.ge [sflag:s24], $0x1  }
0x1b: {  	[sflag:s24] =	ssyncset.done $0x0  }
0x1c: {  	s26 =	simm.s32 $0x1B8E;
	s25 =	sld [smem:$0x3FFE];
	[sflag:s24] =	ssyncadd.s32 $0xFFFFFFFF  }
0x1d: {  	s27 =	simm.s32 $execute0_lowered;
	[smem:$0x3FD2] =	sst s26  }
0x1e: {  	s5 =	sshll.u32 s27, $0x1;
	_ =	strace $0x80000049;
	[dreg:$0x1] =	wrdreg $0xFFFFFFFF  }
0x1f: {  	s28 =	simm.s32 $_size_execute0_lowered;
	s3 =	sadd.s32 s3, s5;
	[dreg:$0x0] =	wrdreg $0x0  }
0x20: {  	s5 =	sshll.u32 s28, $0x1;
	[dreg:$0x2] =	wrdreg s3  }
0x21: {  	[dreg:$0x3] =	wrdreg s5  }
0x22: {  	[dreg:$0x4] =	wrdreg $0xC0  }
0x23: {  	_ =	task [dreg:s7], $0x5FFFF  }
0x24: {  	[dreg:$0x1] =	wrdreg $0xFFFFFFFF  }
0x25: {  	[dreg:$0x0] =	wrdreg $0x60  }
0x26: {  	[dreg:$0x2] =	wrdreg s25  }
0x27: {  	[dreg:$0x3] =	wrdreg s2  }
0x28: {  	[dreg:$0x4] =	wrdreg $0x9  }
0x29: {  	_ =	task.clear_ibuf [dreg:s7], $0x5FFFF;
	_ =	strace $0x90000049  }
0x2a: {  	s29 =	simm.s32 $0x9;
	_ =	strace $0x8000004B  }
0x2b: {  	_ =	swait.ge [sflag:s29], $0x1  }
0x2c: {  	[sflag:s29] =	ssyncadd.s32 $0xFFFFFFFF  }
0x2d: {  	_ =	strace $0x9000004B  }
0x2e: {  	_ =	sfence  }
0x2f: {  	s30 =	sld [smem:$0x0];
	_ =	sdelay $0x2  }
0x30: {  	s31 =	sshll.u32 s1, $0xD;
	s1 =	sshrl.u32 s1, $0x2  }
0x31: {  	s3 =	sand.u32 $0x4000, s31;
	s1 =	sadd.s32 s1, s30  }
0x32: {  	s0 =	sor.u32 s3, s0;
	s1 =	sshll.u32 s1, $0x11  }
0x33: {  	s0 =	sor.u32 s1, s0  }
0x34: {  	s0 =	sadd.s32 $0x8F2B, s0  }
0x35: {  	[sflag:s0] =	ssyncadd.remote.s32 $0x1  }
0x36: {  	_ =	sfence.sel $0xFFFF  }
0x37: {  	[dreg:$0x0] =	wrdreg $0xFFFFFFFF;
	(pc) =	sbr.abs _section_cstart, $3  }
0x38: {  	[dreg:$0x1] =	wrdreg $0xFFFFFFFF  }
0x39: {  	_ =	task.clear_ibuf [dreg:s7], $0x2FFFF;
	_ =	strace $0x9FFFFFFF  }
0x3a: {  	(tm) =	ssettm $0x7FFFFFFF  }
0x3b: {  	_ =	shalt  }
tec
execute0_lowered:
.L_overlay_start_1:
0x0: {  	(tag) =	ssettag $0x1  }
0x1: {  	s0 =	srdreg.scid  }
0x2: {  	s1 =	sshll.u32 s0, $0x4  }
0x3: {  	s0 =	stileid.u32;
	s1 =	sand.u32 $0x10, s1  }
0x4: {  	s1 =	sor.u32 s0, s1  }
0x5: {  	s6 =	rddreg [dreg:$0x0];
	s4 =	simm.s32 $0x1;
	s2 =	sshll.u32 s1, $0x7  }
0x6: {  	s7 =	simm.s32 $0x2;
	s12 =	simm.s32 $0x0;
	s1 =	ssub.s32 $0x1000, s2  }
0x7: {  	s8 =	simm.s32 $0x8000;
	s13 =	simm.s32 $0x0;
	s3 =	sand.u32 $0xF80, s1  }
0x8: {  	s9 =	simm.s32 $0x0;
	s5 =	sshrl.u32 s1, $0xC;
	p0 =	sne.s32 s3, $0x0  }
.Ltmp0:
0x9: {  	s1 =	rddreg [dreg:$0x2];
	s4 =	simm.s32 @!p0 $0x0;
	(pc) =	sbr.rel .LBB1_1-.Ltmp0, $4  }
0xa: {  	s11 =	simm.s32 $0x0;
	s3 =	rddreg [dreg:$0x1];
	s5 =	sadd.s32 s4, s5  }
0xb: {  	_ =	strace $0x8000004A;
	s4 =	simm.s32 $0x1;
	s5 =	smul.u32 $0xC8, s5  }
0xc: {  	s6 =	sadd.s32 $0xF43C00, s6;
	s10 =	smov.u32 s2;
	[sflag:s4] =	ssyncpa.u1 $0x0  }
0xd: {  	p0 =	por $0x0, $0x0;
	[sflag:s7] =	ssyncpa.u1 $0x0;
	s7 =	sor.u32 $0x1, s5  }
.LBB1_4:
0xe: {  	s16 =	sshll.u32 s13, $0x3;
	s17 =	sand.u32 $0x78, s13  }
0xf: {  	s30 =	sand.u32 $0x7E00, s13;
	s12 =	sshll.u32 s12, $0xF;
	s16 =	sand.u32 $0xC00, s16  }
0x10: {  	[tilespmem:s15+$0x810 ss:$0x81] =	vst.msk $0xffff, v2;
	s31 =	sand.u32 $0x7, s13;
	s16 =	sor.u32 s17, s16;
	s17 =	sadd.s32 s3, s30  }
0x11: {  	[tilespmem:s15+$0x1020 ss:$0x81] =	vst.msk $0xffff, v0;
	s13 =	sshll.u32 s31, $0x12;
	s12 =	sadd.s32 s12, s17;
	s16 =	sshrl.u32 s16, $0x3  }
0x12: {  	[tilespmem:s15+$0x0 ss:$0x81] =	vst.msk $0xffff, v1;
	s13 =	sor.u32 $0x400, s13;
	s12 =	sadd.s32 s16, s12  }
0x13: {  	[hbm4b:s12+s13] =	stream.strided.scatter [tilespmem:s14], [sflag:$0x2], $0x2000, s8, s13, $0x20;
	[tilespmem:$0x8080] =	vst v63  }
.LBB1_5:
0x14: {  	s14 =	sadd.s32 $0x1, s9  }
0x15: {  	s12 =	sadd.s32 $0x1000, s10;
	s16 =	smov.u32 s10;
	p2 =	sgt.s32 s14, $0xC7  }
0x16: {  	s16 =	smov.u32 @p2 s12  }
0x17: {  	s14 =	simm.s32 @p2 $0x0;
	p2 =	sgt.s32 s16, $0xFFF  }
0x18: {  	s16 =	smov.u32 @p2 s2;
	p2 =	sne.s32 s11, s7  }
.Ltmp1:
0x19: {  	p1 =	slt.u32 s11, $0x2;
	(pc) =	sbr.rel @!p2 .LBB1_6-.Ltmp1, $4  }
0x1a: {  	s15 =	simm.s32 @!p1 $0x2  }
0x1b: {  	s13 =	smov.u32 s10;
	p0 =	por !p0, !p0;
	_ =	swait.ge @!p1 [sflag:s15], $0x2000  }
0x1c: {  	s12 =	smov.u32 s9;
	[sflag:s15] =	ssyncset.done @!p1 $0x0;
	s9 =	smov.u32 s14  }
0x1d: {  	s11 =	sadd.s32 $0x1, s11;
	[sflag:s15] =	ssyncadd.s32 @!p1 $0xFFFFE000;
	s10 =	smov.u32 s16  }
.LBB1_1:
0x1e: {  	p1 =	sge.u32 s11, s5  }
0x1f: {  	s14 =	sand.u32 @!p1 $0x1FFFFFF, s9  }
0x20: {  	s15 =	smulhi.u32 @!p1 $0x147AE15, s14;
	_ =	sdelay $0x1  }
0x21: {  	s15 =	smul.u32 @!p1 $0xC8, s15  }
0x22: {  	s16 =	sxor.u32 @!p1 $0xFFFFFFFF, s11;
	s17 =	smul.u32 @!p1 $0xC80, s10  }
0x23: {  	s31 =	sadd.s32 $0xFFFFFFFF, s11;
	s16 =	sshll.u32 @!p1 s16, $0xD;
	s14 =	ssub.s32 @!p1 s14, s15  }
0x24: {  	s15 =	sand.u32 @!p1 $0x2000, s16;
	s16 =	sadd.s32 @!p1 s6, s17;
	s14 =	sshll.u32 @!p1 s14, $0x4  }
0x25: {  	s17 =	simm.s32 @!p1 $0x6400;
	s14 =	sadd.s32 @!p1 s14, s16;
	s16 =	simm.s32 @!p1 $0x40  }
0x26: {  	[tilespmem:s15], [sflag:$0x1] =	stream.strided.gather @!p1 [hbm4b:s14+s16], $0x2000, s17, s16, $0x38;
	[tilespmem:$0x8080] =	vst v63  }
0x27: {  	p1 =	sge.u32 s31, s5  }
.Ltmp2:
0x28: {  	_ = 	snop;
	(pc) =	sbr.rel @p1 .LBB1_5-.Ltmp2, $1  }
0x29: {  	_ =	sdelay $0x3  }
0x2a: {  	s14 =	simm.s32 $0x1  }
0x2b: {  	_ =	swait.ge [sflag:s4], $0x2000;
	s14 =	simm.s32 @!p0 $0x0  }
0x2c: {  	[sflag:s4] =	ssyncset.done $0x0;
	s15 =	sshll.u32 s14, $0xD  }
0x2d: {  	[sflag:s4] =	ssyncadd.s32 $0xFFFFE000;
	s18 =	sor.u32 $0x20, s15  }
0x2e: {  	s14 =	smul.u32 $0x8100, s14;
	v3 =	vld [tilespmem:s18+$0x10]  }
0x2f: {  	s30 =	sand.u32 $0x1, s11;
	v2 =	vld [tilespmem:s18+$0xFFFFFFF0]  }
0x30: {  	s15 =	smul.u32 $0x8100, s30;
	s14 =	sshrl.u32 s14, $0x2;
	v0 =	vld [tilespmem:s18+$0x0]  }
0x31: {  	v1 =	vld [tilespmem:s18+$0xFFFFFFE0];
	s16 =	sor.u32 $0x4000, s14  }
0x32: {  	s31 =	sshrl.u32 s15, $0x2;
	s15 =	sadd.s32 $0x0, s16  }
0x33: {  	s17 =	simm.s32 $0x4;
	s18 =	sadd.s32 $0x40, s18;
	s14 =	sor.u32 $0x4000, s31;
	[tilespmem:s15+$0x1830 ss:$0x81] =	vst.msk $0xffff, v3  }
.LBB1_3:
0x34: {  	v3 =	vld [tilespmem:s18+$0x10];
	p1 =	sne.s32 s17, $0x1FC;
	[tilespmem:s15+$0x810 ss:$0x81] =	vst.msk $0xffff, v2;
	s19 =	smov.u32 s17;
	s17 =	sadd.s32 $0x4, s17  }
.Ltmp3:
0x35: {  	v2 =	vld [tilespmem:s18+$0xFFFFFFF0];
	[tilespmem:s15+$0x1020 ss:$0x81] =	vst.msk $0xffff, v0;
	(pc) =	sbr.rel @p1 .LBB1_3-.Ltmp3, $4  }
0x36: {  	v0 =	vld [tilespmem:s18+$0x0];
	[tilespmem:s15+$0x0 ss:$0x81] =	vst.msk $0xffff, v1  }
0x37: {  	s15 =	sshra.s32 s19, $0x2;
	v1 =	vld [tilespmem:s18+$0xFFFFFFE0]  }
0x38: {  	s15 =	sadd.s32 s15, s16  }
0x39: {  	s18 =	sadd.s32 $0x40, s18;
	[tilespmem:s15+$0x1830 ss:$0x81] =	vst.msk $0xffff, v3  }
.Ltmp4:
0x3a: {  	_ = 	snop;
	(pc) =	sbr.rel .LBB1_4-.Ltmp4, $1  }
0x3b: {  	_ =	sdelay $0x3  }
.LBB1_6:
0x3c: {  	_ =	sfence.sel $0x180000  }
0x3d: {  	s2 =	simm.s32 $0x1;
	[bflag:$0x0] =	sbarrier.arrive $0xFFFF  }
0x3e: {  	s31 =	simm.s32 $0x2;
	[sflag:s2] =	ssyncpa.u1 $0x1  }
0x3f: {  	[sflag:s31] =	ssyncpa.u1 $0x1  }
0x40: {  	p0 =	sne.s32 s0, $0x0;
	_ =	strace $0x9000004A  }
0x41: {  	s0 =	sadd.s32 @!p0 $0x100000, s1;
	[bflag:$0x2] =	sbarrier.arrive $0xFFFF  }
0x42: {  	[sflag:s0] =	ssyncadd.tile.s32 @!p0 $0x1;
	_ =	shalt  }
.Lfunc_end1:
_tile_overlayer_lowered:
.L_overlay_start_2:
0x43: {  	(tag) =	ssettag $0x2  }
0x44: {  	s0 =	rddreg [dreg:$0x0];
	s2 =	stileid.u32  }
0x45: {  	s1 =	rddreg [dreg:$0x1];
	p0 =	sne.s32 s2, $0x0  }
0x46: {  	s3 =	rddreg [dreg:$0x2];
	[bflag:$0x3] =	sbarrier.arrive $0xFFFF;
	s2 =	simm.s32 @!p0 $0x1C01  }
0x47: {  	[timem:s3], [sflag:s2] =	dma.local @!p0 [hbm:s0], s1  }
0x48: {  	s0 =	simm.s32 @!p0 $0x1  }
0x49: {  	_ =	swait.ge @!p0 [sflag:s0], s1  }
0x4a: {  	s1 =	ssub.s32 @!p0 $0x0, s1;
	[sflag:s0] =	ssyncset.done @!p0 $0x0  }
0x4b: {  	[sflag:s0] =	ssyncadd.s32 @!p0 s1  }
0x4c: {  	[bflag:$0x3] =	sbarrier.arrive $0xFFFF  }
0x4d: {  	_ =	shalt  }

</sc_bundles>
